<compile_context>
chip_gen: v7x
topology: tpu7x:2x2x1
jax: 0.10.2.dev20260603
libtpu: 0.0.44.dev20260713+nightly
codegen_flags: <defaults>
</compile_context>

<pallas_src>
import jax
import jax.numpy as jnp
from jax import lax
from jax.experimental import pallas as pl
from jax.experimental.pallas import tpu as pltpu
from jax.experimental.pallas import tpu_sc as plsc

N = 10000
E = 160000
IN_DIM = 128
OUT_DIM = 128
REL_DIM = 16
AUXW = 32

NC, NS = 2, 16
NW = NC * NS
EPW = E // NW
B = 125
K = EPW // B
NPAD = 10240
RPS = NPAD // NS
ZR = 128


def _proj_body(h_ref, wn_ref, na_ref, h2_ref, h2s_ref):
    h2 = lax.dot_general(h_ref[...], wn_ref[...],
                         (((1,), (1,)), ((), ())),
                         preferred_element_type=jnp.float32)
    h2_ref[...] = h2
    h2s_ref[...] = na_ref[...] * h2


def _project(h, W_node, na2d):
    blk = 1000
    grid = N // blk
    return pl.pallas_call(
        _proj_body,
        grid=(grid,),
        in_specs=[
            pl.BlockSpec((blk, IN_DIM), lambda i: (i, 0)),
            pl.BlockSpec((OUT_DIM, IN_DIM), lambda i: (0, 0)),
            pl.BlockSpec((blk, 1), lambda i: (i, 0)),
        ],
        out_specs=[
            pl.BlockSpec((blk, OUT_DIM), lambda i: (i, 0)),
            pl.BlockSpec((blk, OUT_DIM), lambda i: (i, 0)),
        ],
        out_shape=[
            jax.ShapeDtypeStruct((N, OUT_DIM), jnp.float32),
            jax.ShapeDtypeStruct((N, OUT_DIM), jnp.float32),
        ],
    )(h, W_node, na2d)


def _aux_body(eat_ref, attrt_ref, aux_ref):
    eat = eat_ref[...]
    attrt = attrt_ref[...]
    place = jnp.eye(REL_DIM, 128, dtype=jnp.float32)
    col = lax.broadcasted_iota(jnp.int32, (1, 128), 1)
    e16 = (col == REL_DIM).astype(jnp.float32)
    e17 = (col == REL_DIM + 1).astype(jnp.float32)
    lhs = jnp.concatenate([eat * attrt, eat], axis=0)
    rhs = jnp.concatenate([place, e16], axis=0)
    aux_ref[...] = lax.dot_general(lhs, rhs, (((0,), (0,)), ((), ())),
                                   preferred_element_type=jnp.float32) + e17


def _aux_build(eat, attr_t):
    blk = 1280
    grid = E // blk
    return pl.pallas_call(
        _aux_body,
        grid=(grid,),
        in_specs=[
            pl.BlockSpec((1, blk), lambda i: (0, i)),
            pl.BlockSpec((REL_DIM, blk), lambda i: (0, i)),
        ],
        out_specs=pl.BlockSpec((blk, 128), lambda i: (i, 0)),
        out_shape=jax.ShapeDtypeStruct((E, 128), jnp.float32),
        compiler_params=pltpu.CompilerParams(fuse_transposed_lhs_in_matmul=True),
    )(eat, attr_t)


def _zero_vmem(buf, rows, width):
    def _zero_row(i, _):
        def _zero_lane(j, _):
            buf[i, pl.ds(j * 16, 16)] = jnp.zeros((16,), jnp.float32)
            return 0
        return lax.fori_loop(0, width // 16, _zero_lane, 0)
    lax.fori_loop(0, rows, _zero_row, 0)


def _sc_wide_body(h2s_hbm, src_hbm, dst_hbm, out1_hbm,
                  src_v, dst_v, row_v, zb1, acc1):
    c = lax.axis_index("c")
    s = lax.axis_index("s")
    wid = s * NC + c

    _zero_vmem(zb1, ZR, OUT_DIM)
    for r in range(RPS // ZR):
        pltpu.sync_copy(zb1, acc1.at[pl.ds(s * RPS + r * ZR, ZR)])
    plsc.subcore_barrier()

    pltpu.sync_copy(src_hbm.at[wid], src_v)
    pltpu.sync_copy(dst_hbm.at[wid], dst_v)

    def _chunk(j, _):
        pltpu.sync_copy(h2s_hbm.at[src_v.at[j]], row_v)
        pltpu.sync_copy(row_v, acc1.at[dst_v.at[j]], add=True)
        return 0

    lax.fori_loop(0, K, _chunk, 0)
    plsc.subcore_barrier()

    pltpu.sync_copy(acc1.at[pl.ds(s * RPS, RPS)],
                    out1_hbm.at[c, pl.ds(s * RPS, RPS)])


def _sc_aux_body(aux_hbm, dst_hbm, outa_hbm, dst_v, aux_v, zba, acca):
    c = lax.axis_index("c")
    s = lax.axis_index("s")
    wid = s * NC + c

    _zero_vmem(zba, ZR, AUXW)
    for r in range(RPS // ZR):
        pltpu.sync_copy(zba, acca.at[pl.ds(s * RPS + r * ZR, ZR)])
    plsc.subcore_barrier()

    pltpu.sync_copy(dst_hbm.at[wid], dst_v)

    def _chunk(j, _):
        base = wid * EPW + j * B
        pltpu.sync_copy(aux_hbm.at[pl.ds(base, B), pl.ds(0, AUXW)], aux_v)
        pltpu.sync_copy(aux_v, acca.at[dst_v.at[j]], add=True)
        return 0

    lax.fori_loop(0, K, _chunk, 0)
    plsc.subcore_barrier()

    pltpu.sync_copy(acca.at[pl.ds(s * RPS, RPS)],
                    outa_hbm.at[c, pl.ds(s * RPS, RPS)])


def _sc_scatter2(h2s, aux128, src3, dst3):
    mesh = plsc.VectorSubcoreMesh(core_axis_name="c", subcore_axis_name="s")
    f_wide = pl.kernel(
        _sc_wide_body,
        out_type=jax.ShapeDtypeStruct((NC, NPAD, OUT_DIM), jnp.float32),
        mesh=mesh,
        scratch_types=[
            pltpu.VMEM((K, B), jnp.int32),
            pltpu.VMEM((K, B), jnp.int32),
            pltpu.VMEM((B, OUT_DIM), jnp.float32),
            pltpu.VMEM((ZR, OUT_DIM), jnp.float32),
            pltpu.VMEM_SHARED((NPAD, OUT_DIM), jnp.float32),
        ],
    )
    f_aux = pl.kernel(
        _sc_aux_body,
        out_type=jax.ShapeDtypeStruct((NC, NPAD, AUXW), jnp.float32),
        mesh=mesh,
        compiler_params=pltpu.CompilerParams(use_tc_tiling_on_sc=False),
        scratch_types=[
            pltpu.VMEM((K, B), jnp.int32),
            pltpu.VMEM((B, AUXW), jnp.float32),
            pltpu.VMEM((ZR, AUXW), jnp.float32),
            pltpu.VMEM_SHARED((NPAD, AUXW), jnp.float32),
        ],
    )
    return f_wide(h2s, src3, dst3), f_aux(aux128, dst3)


def _comb_body(o1_ref, oa_ref, h2_ref, na_ref, wr_ref, br_ref, wa_ref,
               ba_ref, out_ref):
    g1 = o1_ref[0] + o1_ref[1]
    a = oa_ref[0] + oa_ref[1]
    g2a = a[:, :REL_DIM]
    s_att = a[:, REL_DIM:REL_DIM + 1]
    deg = a[:, REL_DIM + 1:REL_DIM + 2]
    msg2 = lax.dot_general(g2a, wr_ref[...], (((1,), (1,)), ((), ())),
                           preferred_element_type=jnp.float32)
    msg2 = msg2 + s_att * br_ref[...]
    wa = wa_ref[...]
    pre = lax.dot_general(g1, wa[:, :OUT_DIM],
                          (((1,), (1,)), ((), ())),
                          preferred_element_type=jnp.float32)
    pre += lax.dot_general(msg2, wa[:, OUT_DIM:2 * OUT_DIM],
                           (((1,), (1,)), ((), ())),
                           preferred_element_type=jnp.float32)
    h2 = h2_ref[...]
    pre += lax.dot_general(h2, wa[:, 2 * OUT_DIM:],
                           (((1,), (1,)), ((), ())),
                           preferred_element_type=jnp.float32)
    pre += ba_ref[...]
    new = na_ref[...] * jax.nn.relu(pre)
    out_ref[...] = jnp.where(deg > 0, new, h2)


def _combine(out1, outa, h2, na2d, W_rel, br2d, W_apply, ba2d):
    blk = 1000
    grid = N // blk
    return pl.pallas_call(
        _comb_body,
        grid=(grid,),
        in_specs=[
            pl.BlockSpec((NC, blk, OUT_DIM), lambda i: (0, i, 0)),
            pl.BlockSpec((NC, blk, AUXW), lambda i: (0, i, 0)),
            pl.BlockSpec((blk, OUT_DIM), lambda i: (i, 0)),
            pl.BlockSpec((blk, 1), lambda i: (i, 0)),
            pl.BlockSpec((OUT_DIM, REL_DIM), lambda i: (0, 0)),
            pl.BlockSpec((1, OUT_DIM), lambda i: (0, 0)),
            pl.BlockSpec((OUT_DIM, 3 * OUT_DIM), lambda i: (0, 0)),
            pl.BlockSpec((1, OUT_DIM), lambda i: (0, 0)),
        ],
        out_specs=pl.BlockSpec((blk, OUT_DIM), lambda i: (i, 0)),
        out_shape=jax.ShapeDtypeStruct((N, OUT_DIM), jnp.float32),
    )(out1, outa, h2, na2d, W_rel, br2d, W_apply, ba2d)


def kernel(h, edge_index, edge_attr, node_att, edge_att, W_node, W_rel,
           b_rel, W_apply, b_apply):
    na2d = node_att.reshape(N, 1)
    h2, h2s = _project(h, W_node, na2d)
    aux128 = _aux_build(edge_att.reshape(1, E), edge_attr.T)
    src3 = edge_index[0].reshape(NW, K, B)
    dst3 = edge_index[1].reshape(NW, K, B)
    out1, outa = _sc_scatter2(h2s, aux128, src3, dst3)
    return _combine(out1, outa, h2, na2d, W_rel, b_rel.reshape(1, OUT_DIM),
                    W_apply, b_apply.reshape(1, OUT_DIM))

# --- scband reference (transcript-rebuilt; emitter-appended) ---
"""Pipeline reference for scband-gqattlayer-38482906972429 (READ-ONLY COPY).

The authoritative reference and input builder live on the scoring server;
editing this copy changes nothing except your own understanding.
"""

import jax, jax.numpy as jnp
import numpy as np

N, E = 10000, 160000
IN_DIM, REL_DIM, OUT_DIM = 128, 16, 128


def setup_inputs(seed: int = 0):
    key = jax.random.key(seed)
    ks = jax.random.split(key, 10)
    h = jax.random.normal(ks[0], (N, IN_DIM), dtype=jnp.float32)
    edge_index = jax.random.randint(ks[1], (2, E), 0, N, dtype=jnp.int32)
    edge_attr = jax.random.normal(ks[2], (E, REL_DIM), dtype=jnp.float32)
    node_att = jax.random.uniform(ks[3], (N,), dtype=jnp.float32)
    edge_att = jax.random.uniform(ks[4], (E,), dtype=jnp.float32)
    # Learned parameters (xavier-normal-like init with relu gain)
    gain = float(np.sqrt(2.0))
    W_node = jax.random.normal(ks[5], (OUT_DIM, IN_DIM), dtype=jnp.float32) * gain * float(np.sqrt(2.0 / (IN_DIM + OUT_DIM)))
    W_rel = jax.random.normal(ks[6], (OUT_DIM, REL_DIM), dtype=jnp.float32) * gain * float(np.sqrt(2.0 / (REL_DIM + OUT_DIM)))
    b_rel = jnp.zeros((OUT_DIM,), dtype=jnp.float32)
    W_apply = jax.random.normal(ks[7], (OUT_DIM, 3 * OUT_DIM), dtype=jnp.float32) * gain * float(np.sqrt(2.0 / (3 * OUT_DIM + OUT_DIM)))
    b_apply = jnp.zeros((OUT_DIM,), dtype=jnp.float32)
    return {"h": h, "edge_index": edge_index, "edge_attr": edge_attr, "node_att": node_att, "edge_att": edge_att, "W_node": W_node, "W_rel": W_rel, "b_rel": b_rel, "W_apply": W_apply, "b_apply": b_apply}


def reference(h, edge_index, edge_attr, node_att, edge_att, W_node, W_rel, b_rel, W_apply, b_apply):
    # h = self.node_fc(h)
    h2 = h @ W_node.T
    src = edge_index[0]
    dst = edge_index[1]
    n_nodes = h2.shape[0]
    # message: z1 = src_att * src_feat ; z2 = edge_att * rel_fc(edge_feat); msg = cat([z1, z2], dim=1)
    z1 = node_att[src][:, None] * h2[src]
    rel = edge_attr @ W_rel.T + b_rel
    z2 = edge_att[:, None] * rel
    msg = jnp.concatenate([z1, z2], axis=1)  # [E, 2*out_dim]
    # reduce: sum over mailbox (scatter-add by dst)
    msg_sum = jax.ops.segment_sum(msg, dst, num_segments=n_nodes)  # [N, 2*out_dim]
    cat = jnp.concatenate([msg_sum, h2], axis=1)  # [N, 3*out_dim]
    new_feat = node_att[:, None] * jax.nn.relu(cat @ W_apply.T + b_apply)
    # DGL update_all semantics: zero in-degree nodes keep their (projected) feat
    deg = jax.ops.segment_sum(jnp.ones(dst.shape[0], dtype=h2.dtype), dst, num_segments=n_nodes)
    out = jnp.where((deg > 0)[:, None], new_feat, h2)
    return out

if __name__ == "__main__":
    import jax
    _d = setup_inputs()
    print(jax.jit(kernel)(*tuple(_d.values())))

</pallas_src>

<mosaic_0001>
#map = affine_map<(d0, d1) -> (0, 0)>
#map1 = affine_map<(d0, d1) -> (0, 0, 0)>
module attributes {stable_mosaic.version = 14 : i64} {
  func.func @_sc_aux_body(%arg0: i32, %arg1: i32, %arg2: memref<160000x128xf32, #tpu.memory_space<hbm>>, %arg3: memref<32x40x125xi32, #tpu.memory_space<hbm>>, %arg4: memref<2x10240x32xf32, #tpu.memory_space<hbm>>, %arg5: memref<40x125xi32, #tpu.memory_space<vmem>>, %arg6: memref<125x32xf32, #tpu.memory_space<vmem>>, %arg7: memref<128x32xf32, #tpu.memory_space<vmem>>, %arg8: memref<10240x32xf32, #tpu.memory_space<vmem_shared>>) attributes {dimension_semantics = [#tpu.dimension_semantics<core_parallel>, #tpu.dimension_semantics<subcore_parallel>], iteration_bounds = array<i64: 2, 16>, scalar_prefetch = 0 : i64, scratch_operands = 4 : i64, tpu.core_type = #tpu.core_type<sc_vector_subcore>, window_params = [{transform_indices = #map}, {transform_indices = #map1}, {transform_indices = #map1}]} {
    %mul3A = arith.constant 2 : i32
    %mul3A_0 = arith.muli %arg1, %mul3A : i32
    %add3A = arith.addi %mul3A_0, %arg0 : i32
    %scan3A = arith.constant 0 : i32
    %scan3A_1 = arith.constant 0 : i32
    %scan3A_2 = arith.constant 128 : i32
    %scan3A_3 = arith.addi %scan3A_1, %scan3A_2 : i32
    %scan3A_4 = arith.constant 1 : i32
    %scan3A_5 = scf.for %scan3A_39 = %scan3A_1 to %scan3A_3 step %scan3A_4 iter_args(%scan3A_40 = %scan3A) -> (i32)  : i32 {
      %scan3A_41 = arith.constant 0 : i32
      %scan3A_42 = arith.constant 0 : i32
      %scan3A_43 = arith.constant 2 : i32
      %scan3A_44 = arith.addi %scan3A_42, %scan3A_43 : i32
      %scan3A_45 = arith.constant 1 : i32
      %scan3A_46 = scf.for %scan3A_48 = %scan3A_42 to %scan3A_44 step %scan3A_45 iter_args(%scan3A_49 = %scan3A_41) -> (i32)  : i32 {
        %broadcast_in_dim3A = arith.constant 0.000000e+00 : f32
        %broadcast_in_dim3A_50 = vector.broadcast %broadcast_in_dim3A : f32 to vector<16xf32>
        %mul3A_51 = arith.constant 16 : i32
        %mul3A_52 = arith.muli %scan3A_48, %mul3A_51 : i32
        %swap3A = arith.index_cast %scan3A_39 : i32 to index
        %swap3A_53 = arith.index_cast %mul3A_52 : i32 to index
        %swap3A_54 = tpu.vector_load %arg7[%swap3A, %swap3A_53] {strides = array<i32>} : memref<128x32xf32, #tpu.memory_space<vmem>>, vector<1x16xf32>,
        %swap3A_55 = vector.shape_cast %swap3A_54 : vector<1x16xf32> to vector<16xf32>
        %swap3A_56 = vector.shape_cast %broadcast_in_dim3A_50 : vector<16xf32> to vector<1x16xf32>
        tpu.vector_store %arg7[%swap3A, %swap3A_53], %swap3A_56 {strides = array<i32>} : memref<128x32xf32, #tpu.memory_space<vmem>>, vector<1x16xf32>,
        %scan3A_57 = arith.constant 0 : i32
        scf.yield %scan3A_57 : i32
      }
      %scan3A_47 = arith.constant 2 : i32
      scf.yield %scan3A_46 : i32
    }
    %scan3A_6 = arith.constant 128 : i32
    %mul3A_7 = arith.constant 640 : i32
    %mul3A_8 = arith.muli %arg1, %mul3A_7 : i32
    %add3A_9 = arith.constant 0 : i32
    %add3A_10 = arith.addi %mul3A_8, %add3A_9 : i32
    "tpu.region"() ({
      %run_scoped3A = tpu.sem_alloc : memref<!tpu.dma_semaphore, #tpu.memory_space<semaphore_mem>>
      %dma_start3A = arith.constant 0 : i32
      %dma_start3A_39 = tpu.memref_slice %arg8[%add3A_10, %dma_start3A] : memref<10240x32xf32, #tpu.memory_space<vmem_shared>> -> memref<128x32xf32, #tpu.memory_space<vmem_shared>>
      %dma_start3A_40 = arith.constant 0 : i32
      %dma_start3A_41 = tpu.memref_slice %arg8[%add3A_10, %dma_start3A_40] : memref<10240x32xf32, #tpu.memory_space<vmem_shared>> -> memref<128x32xf32, #tpu.memory_space<vmem_shared>>
      tpu.enqueue_dma source(%arg7 : memref<128x32xf32, #tpu.memory_space<vmem>>) target(%dma_start3A_41 : memref<128x32xf32, #tpu.memory_space<vmem_shared>>) target_semaphore(%run_scoped3A : memref<!tpu.dma_semaphore, #tpu.memory_space<semaphore_mem>>)
      %dma_wait3A = arith.constant 0 : i32
      %dma_wait3A_42 = tpu.memref_slice %arg8[%add3A_10, %dma_wait3A] : memref<10240x32xf32, #tpu.memory_space<vmem_shared>> -> memref<128x32xf32, #tpu.memory_space<vmem_shared>>
      %dma_wait3A_43 = arith.constant 0 : i32
      %dma_wait3A_44 = tpu.memref_slice %arg8[%add3A_10, %dma_wait3A_43] : memref<10240x32xf32, #tpu.memory_space<vmem_shared>> -> memref<128x32xf32, #tpu.memory_space<vmem_shared>>
      tpu.wait_dma2 semaphore(%run_scoped3A : memref<!tpu.dma_semaphore, #tpu.memory_space<semaphore_mem>>) src(%arg7 : memref<128x32xf32, #tpu.memory_space<vmem>>) dst(%dma_wait3A_44 : memref<128x32xf32, #tpu.memory_space<vmem_shared>>)
      tpu.yield
    }) : () -> ()
    %mul3A_11 = arith.constant 640 : i32
    %mul3A_12 = arith.muli %arg1, %mul3A_11 : i32
    %add3A_13 = arith.constant 128 : i32
    %add3A_14 = arith.addi %mul3A_12, %add3A_13 : i32
    "tpu.region"() ({
      %run_scoped3A = tpu.sem_alloc : memref<!tpu.dma_semaphore, #tpu.memory_space<semaphore_mem>>
      %dma_start3A = arith.constant 0 : i32
      %dma_start3A_39 = tpu.memref_slice %arg8[%add3A_14, %dma_start3A] : memref<10240x32xf32, #tpu.memory_space<vmem_shared>> -> memref<128x32xf32, #tpu.memory_space<vmem_shared>>
      %dma_start3A_40 = arith.constant 0 : i32
      %dma_start3A_41 = tpu.memref_slice %arg8[%add3A_14, %dma_start3A_40] : memref<10240x32xf32, #tpu.memory_space<vmem_shared>> -> memref<128x32xf32, #tpu.memory_space<vmem_shared>>
      tpu.enqueue_dma source(%arg7 : memref<128x32xf32, #tpu.memory_space<vmem>>) target(%dma_start3A_41 : memref<128x32xf32, #tpu.memory_space<vmem_shared>>) target_semaphore(%run_scoped3A : memref<!tpu.dma_semaphore, #tpu.memory_space<semaphore_mem>>)
      %dma_wait3A = arith.constant 0 : i32
      %dma_wait3A_42 = tpu.memref_slice %arg8[%add3A_14, %dma_wait3A] : memref<10240x32xf32, #tpu.memory_space<vmem_shared>> -> memref<128x32xf32, #tpu.memory_space<vmem_shared>>
      %dma_wait3A_43 = arith.constant 0 : i32
      %dma_wait3A_44 = tpu.memref_slice %arg8[%add3A_14, %dma_wait3A_43] : memref<10240x32xf32, #tpu.memory_space<vmem_shared>> -> memref<128x32xf32, #tpu.memory_space<vmem_shared>>
      tpu.wait_dma2 semaphore(%run_scoped3A : memref<!tpu.dma_semaphore, #tpu.memory_space<semaphore_mem>>) src(%arg7 : memref<128x32xf32, #tpu.memory_space<vmem>>) dst(%dma_wait3A_44 : memref<128x32xf32, #tpu.memory_space<vmem_shared>>)
      tpu.yield
    }) : () -> ()
    %mul3A_15 = arith.constant 640 : i32
    %mul3A_16 = arith.muli %arg1, %mul3A_15 : i32
    %add3A_17 = arith.constant 256 : i32
    %add3A_18 = arith.addi %mul3A_16, %add3A_17 : i32
    "tpu.region"() ({
      %run_scoped3A = tpu.sem_alloc : memref<!tpu.dma_semaphore, #tpu.memory_space<semaphore_mem>>
      %dma_start3A = arith.constant 0 : i32
      %dma_start3A_39 = tpu.memref_slice %arg8[%add3A_18, %dma_start3A] : memref<10240x32xf32, #tpu.memory_space<vmem_shared>> -> memref<128x32xf32, #tpu.memory_space<vmem_shared>>
      %dma_start3A_40 = arith.constant 0 : i32
      %dma_start3A_41 = tpu.memref_slice %arg8[%add3A_18, %dma_start3A_40] : memref<10240x32xf32, #tpu.memory_space<vmem_shared>> -> memref<128x32xf32, #tpu.memory_space<vmem_shared>>
      tpu.enqueue_dma source(%arg7 : memref<128x32xf32, #tpu.memory_space<vmem>>) target(%dma_start3A_41 : memref<128x32xf32, #tpu.memory_space<vmem_shared>>) target_semaphore(%run_scoped3A : memref<!tpu.dma_semaphore, #tpu.memory_space<semaphore_mem>>)
      %dma_wait3A = arith.constant 0 : i32
      %dma_wait3A_42 = tpu.memref_slice %arg8[%add3A_18, %dma_wait3A] : memref<10240x32xf32, #tpu.memory_space<vmem_shared>> -> memref<128x32xf32, #tpu.memory_space<vmem_shared>>
      %dma_wait3A_43 = arith.constant 0 : i32
      %dma_wait3A_44 = tpu.memref_slice %arg8[%add3A_18, %dma_wait3A_43] : memref<10240x32xf32, #tpu.memory_space<vmem_shared>> -> memref<128x32xf32, #tpu.memory_space<vmem_shared>>
      tpu.wait_dma2 semaphore(%run_scoped3A : memref<!tpu.dma_semaphore, #tpu.memory_space<semaphore_mem>>) src(%arg7 : memref<128x32xf32, #tpu.memory_space<vmem>>) dst(%dma_wait3A_44 : memref<128x32xf32, #tpu.memory_space<vmem_shared>>)
      tpu.yield
    }) : () -> ()
    %mul3A_19 = arith.constant 640 : i32
    %mul3A_20 = arith.muli %arg1, %mul3A_19 : i32
    %add3A_21 = arith.constant 384 : i32
    %add3A_22 = arith.addi %mul3A_20, %add3A_21 : i32
    "tpu.region"() ({
      %run_scoped3A = tpu.sem_alloc : memref<!tpu.dma_semaphore, #tpu.memory_space<semaphore_mem>>
      %dma_start3A = arith.constant 0 : i32
      %dma_start3A_39 = tpu.memref_slice %arg8[%add3A_22, %dma_start3A] : memref<10240x32xf32, #tpu.memory_space<vmem_shared>> -> memref<128x32xf32, #tpu.memory_space<vmem_shared>>
      %dma_start3A_40 = arith.constant 0 : i32
      %dma_start3A_41 = tpu.memref_slice %arg8[%add3A_22, %dma_start3A_40] : memref<10240x32xf32, #tpu.memory_space<vmem_shared>> -> memref<128x32xf32, #tpu.memory_space<vmem_shared>>
      tpu.enqueue_dma source(%arg7 : memref<128x32xf32, #tpu.memory_space<vmem>>) target(%dma_start3A_41 : memref<128x32xf32, #tpu.memory_space<vmem_shared>>) target_semaphore(%run_scoped3A : memref<!tpu.dma_semaphore, #tpu.memory_space<semaphore_mem>>)
      %dma_wait3A = arith.constant 0 : i32
      %dma_wait3A_42 = tpu.memref_slice %arg8[%add3A_22, %dma_wait3A] : memref<10240x32xf32, #tpu.memory_space<vmem_shared>> -> memref<128x32xf32, #tpu.memory_space<vmem_shared>>
      %dma_wait3A_43 = arith.constant 0 : i32
      %dma_wait3A_44 = tpu.memref_slice %arg8[%add3A_22, %dma_wait3A_43] : memref<10240x32xf32, #tpu.memory_space<vmem_shared>> -> memref<128x32xf32, #tpu.memory_space<vmem_shared>>
      tpu.wait_dma2 semaphore(%run_scoped3A : memref<!tpu.dma_semaphore, #tpu.memory_space<semaphore_mem>>) src(%arg7 : memref<128x32xf32, #tpu.memory_space<vmem>>) dst(%dma_wait3A_44 : memref<128x32xf32, #tpu.memory_space<vmem_shared>>)
      tpu.yield
    }) : () -> ()
    %mul3A_23 = arith.constant 640 : i32
    %mul3A_24 = arith.muli %arg1, %mul3A_23 : i32
    %add3A_25 = arith.constant 512 : i32
    %add3A_26 = arith.addi %mul3A_24, %add3A_25 : i32
    "tpu.region"() ({
      %run_scoped3A = tpu.sem_alloc : memref<!tpu.dma_semaphore, #tpu.memory_space<semaphore_mem>>
      %dma_start3A = arith.constant 0 : i32
      %dma_start3A_39 = tpu.memref_slice %arg8[%add3A_26, %dma_start3A] : memref<10240x32xf32, #tpu.memory_space<vmem_shared>> -> memref<128x32xf32, #tpu.memory_space<vmem_shared>>
      %dma_start3A_40 = arith.constant 0 : i32
      %dma_start3A_41 = tpu.memref_slice %arg8[%add3A_26, %dma_start3A_40] : memref<10240x32xf32, #tpu.memory_space<vmem_shared>> -> memref<128x32xf32, #tpu.memory_space<vmem_shared>>
      tpu.enqueue_dma source(%arg7 : memref<128x32xf32, #tpu.memory_space<vmem>>) target(%dma_start3A_41 : memref<128x32xf32, #tpu.memory_space<vmem_shared>>) target_semaphore(%run_scoped3A : memref<!tpu.dma_semaphore, #tpu.memory_space<semaphore_mem>>)
      %dma_wait3A = arith.constant 0 : i32
      %dma_wait3A_42 = tpu.memref_slice %arg8[%add3A_26, %dma_wait3A] : memref<10240x32xf32, #tpu.memory_space<vmem_shared>> -> memref<128x32xf32, #tpu.memory_space<vmem_shared>>
      %dma_wait3A_43 = arith.constant 0 : i32
      %dma_wait3A_44 = tpu.memref_slice %arg8[%add3A_26, %dma_wait3A_43] : memref<10240x32xf32, #tpu.memory_space<vmem_shared>> -> memref<128x32xf32, #tpu.memory_space<vmem_shared>>
      tpu.wait_dma2 semaphore(%run_scoped3A : memref<!tpu.dma_semaphore, #tpu.memory_space<semaphore_mem>>) src(%arg7 : memref<128x32xf32, #tpu.memory_space<vmem>>) dst(%dma_wait3A_44 : memref<128x32xf32, #tpu.memory_space<vmem_shared>>)
      tpu.yield
    }) : () -> ()
    %barrier3A = arith.constant 0 : index
    tpu.barrier barrier_id(%barrier3A)
    "tpu.region"() ({
      %run_scoped3A = tpu.sem_alloc : memref<!tpu.dma_semaphore, #tpu.memory_space<semaphore_mem>>
      %dma_start3A = arith.constant 0 : i32
      %dma_start3A_39 = arith.constant 0 : i32
      %dma_start3A_40 = tpu.memref_slice %arg3[%add3A, %dma_start3A, %dma_start3A_39] : memref<32x40x125xi32, #tpu.memory_space<hbm>> -> memref<1x40x125xi32, #tpu.memory_space<hbm>>
      %dma_start3A_41 = tpu.memref_squeeze %dma_start3A_40 : memref<1x40x125xi32, #tpu.memory_space<hbm>> -> memref<40x125xi32, #tpu.memory_space<hbm>>
      %dma_start3A_42 = arith.constant 0 : i32
      %dma_start3A_43 = arith.constant 0 : i32
      %dma_start3A_44 = tpu.memref_slice %arg3[%add3A, %dma_start3A_42, %dma_start3A_43] : memref<32x40x125xi32, #tpu.memory_space<hbm>> -> memref<1x40x125xi32, #tpu.memory_space<hbm>>
      %dma_start3A_45 = tpu.memref_squeeze %dma_start3A_44 : memref<1x40x125xi32, #tpu.memory_space<hbm>> -> memref<40x125xi32, #tpu.memory_space<hbm>>
      tpu.enqueue_dma source(%dma_start3A_45 : memref<40x125xi32, #tpu.memory_space<hbm>>) target(%arg5 : memref<40x125xi32, #tpu.memory_space<vmem>>) target_semaphore(%run_scoped3A : memref<!tpu.dma_semaphore, #tpu.memory_space<semaphore_mem>>)
      %dma_wait3A = arith.constant 0 : i32
      %dma_wait3A_46 = arith.constant 0 : i32
      %dma_wait3A_47 = tpu.memref_slice %arg3[%add3A, %dma_wait3A, %dma_wait3A_46] : memref<32x40x125xi32, #tpu.memory_space<hbm>> -> memref<1x40x125xi32, #tpu.memory_space<hbm>>
      %dma_wait3A_48 = tpu.memref_squeeze %dma_wait3A_47 : memref<1x40x125xi32, #tpu.memory_space<hbm>> -> memref<40x125xi32, #tpu.memory_space<hbm>>
      %dma_wait3A_49 = arith.constant 0 : i32
      %dma_wait3A_50 = arith.constant 0 : i32
      %dma_wait3A_51 = tpu.memref_slice %arg3[%add3A, %dma_wait3A_49, %dma_wait3A_50] : memref<32x40x125xi32, #tpu.memory_space<hbm>> -> memref<1x40x125xi32, #tpu.memory_space<hbm>>
      %dma_wait3A_52 = tpu.memref_squeeze %dma_wait3A_51 : memref<1x40x125xi32, #tpu.memory_space<hbm>> -> memref<40x125xi32, #tpu.memory_space<hbm>>
      tpu.wait_dma2 semaphore(%run_scoped3A : memref<!tpu.dma_semaphore, #tpu.memory_space<semaphore_mem>>) src(%dma_wait3A_52 : memref<40x125xi32, #tpu.memory_space<hbm>>) dst(%arg5 : memref<40x125xi32, #tpu.memory_space<vmem>>)
      tpu.yield
    }) : () -> ()
    %scan3A_27 = arith.constant 0 : i32
    %scan3A_28 = arith.constant 0 : i32
    %scan3A_29 = arith.constant 40 : i32
    %scan3A_30 = arith.addi %scan3A_28, %scan3A_29 : i32
    %scan3A_31 = arith.constant 1 : i32
    %scan3A_32 = scf.for %scan3A_39 = %scan3A_28 to %scan3A_30 step %scan3A_31 iter_args(%scan3A_40 = %scan3A_27) -> (i32)  : i32 {
      %mul3A_41 = arith.constant 5000 : i32
      %mul3A_42 = arith.muli %add3A, %mul3A_41 : i32
      %mul3A_43 = arith.constant 125 : i32
      %mul3A_44 = arith.muli %scan3A_39, %mul3A_43 : i32
      %add3A_45 = arith.addi %mul3A_42, %mul3A_44 : i32
      "tpu.region"() ({
        %run_scoped3A = tpu.sem_alloc : memref<!tpu.dma_semaphore, #tpu.memory_space<semaphore_mem>>
        %dma_start3A = arith.constant 0 : i32
        %dma_start3A_47 = tpu.memref_slice %arg2[%add3A_45, %dma_start3A] : memref<160000x128xf32, #tpu.memory_space<hbm>> -> memref<125x32xf32, #tpu.memory_space<hbm>>
        %dma_start3A_48 = arith.constant 0 : i32
        %dma_start3A_49 = tpu.memref_slice %arg2[%add3A_45, %dma_start3A_48] : memref<160000x128xf32, #tpu.memory_space<hbm>> -> memref<125x32xf32, #tpu.memory_space<hbm>>
        tpu.enqueue_dma source(%dma_start3A_49 : memref<125x32xf32, #tpu.memory_space<hbm>>) target(%arg6 : memref<125x32xf32, #tpu.memory_space<vmem>>) target_semaphore(%run_scoped3A : memref<!tpu.dma_semaphore, #tpu.memory_space<semaphore_mem>>)
        %dma_wait3A = arith.constant 0 : i32
        %dma_wait3A_50 = tpu.memref_slice %arg2[%add3A_45, %dma_wait3A] : memref<160000x128xf32, #tpu.memory_space<hbm>> -> memref<125x32xf32, #tpu.memory_space<hbm>>
        %dma_wait3A_51 = arith.constant 0 : i32
        %dma_wait3A_52 = tpu.memref_slice %arg2[%add3A_45, %dma_wait3A_51] : memref<160000x128xf32, #tpu.memory_space<hbm>> -> memref<125x32xf32, #tpu.memory_space<hbm>>
        tpu.wait_dma2 semaphore(%run_scoped3A : memref<!tpu.dma_semaphore, #tpu.memory_space<semaphore_mem>>) src(%dma_wait3A_52 : memref<125x32xf32, #tpu.memory_space<hbm>>) dst(%arg6 : memref<125x32xf32, #tpu.memory_space<vmem>>)
        tpu.yield
      }) : () -> ()
      "tpu.region"() ({
        %run_scoped3A = tpu.sem_alloc : memref<!tpu.dma_semaphore, #tpu.memory_space<semaphore_mem>>
        %dma_start3A = arith.constant 0 : i32
        %dma_start3A_47 = tpu.memref_slice %arg5[%scan3A_39, %dma_start3A] : memref<40x125xi32, #tpu.memory_space<vmem>> -> memref<1x125xi32, #tpu.memory_space<vmem>>
        %dma_start3A_48 = tpu.memref_squeeze %dma_start3A_47 : memref<1x125xi32, #tpu.memory_space<vmem>> -> memref<125xi32, #tpu.memory_space<vmem>>
        %dma_start3A_49 = arith.constant 0 : i32
        %dma_start3A_50 = arith.constant 0 : i32
        %dma_start3A_51 = tpu.memref_slice %arg8[%dma_start3A_49, %dma_start3A_50] : memref<10240x32xf32, #tpu.memory_space<vmem_shared>> -> memref<10240x32xf32, #tpu.memory_space<vmem_shared>>
        tpu.enqueue_indirect_dma source(%arg6 : memref<125x32xf32, #tpu.memory_space<vmem>>) target(%dma_start3A_51 : memref<10240x32xf32, #tpu.memory_space<vmem_shared>>) offsets(%dma_start3A_48 : memref<125xi32, #tpu.memory_space<vmem>>) semaphore(%run_scoped3A : memref<!tpu.dma_semaphore, #tpu.memory_space<semaphore_mem>>) {add = true}
        %dma_wait3A = arith.constant 0 : i32
        %dma_wait3A_52 = tpu.memref_slice %arg5[%scan3A_39, %dma_wait3A] : memref<40x125xi32, #tpu.memory_space<vmem>> -> memref<1x125xi32, #tpu.memory_space<vmem>>
        %dma_wait3A_53 = tpu.memref_squeeze %dma_wait3A_52 : memref<1x125xi32, #tpu.memory_space<vmem>> -> memref<125xi32, #tpu.memory_space<vmem>>
        %dma_wait3A_54 = arith.constant 0 : i32
        %dma_wait3A_55 = arith.constant 0 : i32
        %dma_wait3A_56 = tpu.memref_slice %arg8[%dma_wait3A_54, %dma_wait3A_55] : memref<10240x32xf32, #tpu.memory_space<vmem_shared>> -> memref<10240x32xf32, #tpu.memory_space<vmem_shared>>
        tpu.wait_indirect_dma semaphore(%run_scoped3A : memref<!tpu.dma_semaphore, #tpu.memory_space<semaphore_mem>>) src(%arg6 : memref<125x32xf32, #tpu.memory_space<vmem>>) dst(%dma_wait3A_56 : memref<10240x32xf32, #tpu.memory_space<vmem_shared>>)
        tpu.yield
      }) : () -> ()
      %scan3A_46 = arith.constant 0 : i32
      scf.yield %scan3A_46 : i32
    }
    %scan3A_33 = arith.constant 40 : i32
    %barrier3A_34 = arith.constant 0 : index
    tpu.barrier barrier_id(%barrier3A_34)
    %mul3A_35 = arith.constant 640 : i32
    %mul3A_36 = arith.muli %arg1, %mul3A_35 : i32
    %mul3A_37 = arith.constant 640 : i32
    %mul3A_38 = arith.muli %arg1, %mul3A_37 : i32
    "tpu.region"() ({
      %run_scoped3A = tpu.sem_alloc : memref<!tpu.dma_semaphore, #tpu.memory_space<semaphore_mem>>
      %dma_start3A = arith.constant 0 : i32
      %dma_start3A_39 = tpu.memref_slice %arg4[%arg0, %mul3A_38, %dma_start3A] : memref<2x10240x32xf32, #tpu.memory_space<hbm>> -> memref<1x640x32xf32, #tpu.memory_space<hbm>>
      %dma_start3A_40 = tpu.memref_squeeze %dma_start3A_39 : memref<1x640x32xf32, #tpu.memory_space<hbm>> -> memref<640x32xf32, #tpu.memory_space<hbm>>
      %dma_start3A_41 = arith.constant 0 : i32
      %dma_start3A_42 = tpu.memref_slice %arg8[%mul3A_36, %dma_start3A_41] : memref<10240x32xf32, #tpu.memory_space<vmem_shared>> -> memref<640x32xf32, #tpu.memory_space<vmem_shared>>
      tpu.enqueue_dma source(%dma_start3A_42 : memref<640x32xf32, #tpu.memory_space<vmem_shared>>) target(%dma_start3A_40 : memref<640x32xf32, #tpu.memory_space<hbm>>) target_semaphore(%run_scoped3A : memref<!tpu.dma_semaphore, #tpu.memory_space<semaphore_mem>>)
      %dma_wait3A = arith.constant 0 : i32
      %dma_wait3A_43 = tpu.memref_slice %arg4[%arg0, %mul3A_38, %dma_wait3A] : memref<2x10240x32xf32, #tpu.memory_space<hbm>> -> memref<1x640x32xf32, #tpu.memory_space<hbm>>
      %dma_wait3A_44 = tpu.memref_squeeze %dma_wait3A_43 : memref<1x640x32xf32, #tpu.memory_space<hbm>> -> memref<640x32xf32, #tpu.memory_space<hbm>>
      %dma_wait3A_45 = arith.constant 0 : i32
      %dma_wait3A_46 = tpu.memref_slice %arg8[%mul3A_36, %dma_wait3A_45] : memref<10240x32xf32, #tpu.memory_space<vmem_shared>> -> memref<640x32xf32, #tpu.memory_space<vmem_shared>>
      tpu.wait_dma2 semaphore(%run_scoped3A : memref<!tpu.dma_semaphore, #tpu.memory_space<semaphore_mem>>) src(%dma_wait3A_46 : memref<640x32xf32, #tpu.memory_space<vmem_shared>>) dst(%dma_wait3A_44 : memref<640x32xf32, #tpu.memory_space<hbm>>)
      tpu.yield
    }) : () -> ()
    return
  }
}

#map = affine_map<(d0, d1) -> (0, 0)>
#map1 = affine_map<(d0, d1) -> (0, 0, 0)>
module attributes {stable_mosaic.version = 14 : i64} {
  func.func @_sc_wide_body(%arg0: i32, %arg1: i32, %arg2: memref<10000x128xf32, #tpu.memory_space<hbm>>, %arg3: memref<32x40x125xi32, #tpu.memory_space<hbm>>, %arg4: memref<32x40x125xi32, #tpu.memory_space<hbm>>, %arg5: memref<2x10240x128xf32, #tpu.memory_space<hbm>>, %arg6: memref<40x125xi32, #tpu.memory_space<vmem>>, %arg7: memref<40x125xi32, #tpu.memory_space<vmem>>, %arg8: memref<125x128xf32, #tpu.memory_space<vmem>>, %arg9: memref<128x128xf32, #tpu.memory_space<vmem>>, %arg10: memref<10240x128xf32, #tpu.memory_space<vmem_shared>>) attributes {dimension_semantics = [#tpu.dimension_semantics<core_parallel>, #tpu.dimension_semantics<subcore_parallel>], iteration_bounds = array<i64: 2, 16>, scalar_prefetch = 0 : i64, scratch_operands = 5 : i64, tpu.core_type = #tpu.core_type<sc_vector_subcore>, window_params = [{transform_indices = #map}, {transform_indices = #map1}, {transform_indices = #map1}, {transform_indices = #map1}]} {
    %mul3A = arith.constant 2 : i32
    %mul3A_0 = arith.muli %arg1, %mul3A : i32
    %add3A = arith.addi %mul3A_0, %arg0 : i32
    %scan3A = arith.constant 0 : i32
    %scan3A_1 = arith.constant 0 : i32
    %scan3A_2 = arith.constant 128 : i32
    %scan3A_3 = arith.addi %scan3A_1, %scan3A_2 : i32
    %scan3A_4 = arith.constant 1 : i32
    %scan3A_5 = scf.for %scan3A_39 = %scan3A_1 to %scan3A_3 step %scan3A_4 iter_args(%scan3A_40 = %scan3A) -> (i32)  : i32 {
      %scan3A_41 = arith.constant 0 : i32
      %scan3A_42 = arith.constant 0 : i32
      %scan3A_43 = arith.constant 8 : i32
      %scan3A_44 = arith.addi %scan3A_42, %scan3A_43 : i32
      %scan3A_45 = arith.constant 1 : i32
      %scan3A_46 = scf.for %scan3A_48 = %scan3A_42 to %scan3A_44 step %scan3A_45 iter_args(%scan3A_49 = %scan3A_41) -> (i32)  : i32 {
        %broadcast_in_dim3A = arith.constant 0.000000e+00 : f32
        %broadcast_in_dim3A_50 = vector.broadcast %broadcast_in_dim3A : f32 to vector<16xf32>
        %mul3A_51 = arith.constant 16 : i32
        %mul3A_52 = arith.muli %scan3A_48, %mul3A_51 : i32
        %swap3A = arith.index_cast %scan3A_39 : i32 to index
        %swap3A_53 = arith.index_cast %mul3A_52 : i32 to index
        %swap3A_54 = tpu.vector_load %arg9[%swap3A, %swap3A_53] {strides = array<i32>} : memref<128x128xf32, #tpu.memory_space<vmem>>, vector<1x16xf32>,
        %swap3A_55 = vector.shape_cast %swap3A_54 : vector<1x16xf32> to vector<16xf32>
        %swap3A_56 = vector.shape_cast %broadcast_in_dim3A_50 : vector<16xf32> to vector<1x16xf32>
        tpu.vector_store %arg9[%swap3A, %swap3A_53], %swap3A_56 {strides = array<i32>} : memref<128x128xf32, #tpu.memory_space<vmem>>, vector<1x16xf32>,
        %scan3A_57 = arith.constant 0 : i32
        scf.yield %scan3A_57 : i32
      }
      %scan3A_47 = arith.constant 8 : i32
      scf.yield %scan3A_46 : i32
    }
    %scan3A_6 = arith.constant 128 : i32
    %mul3A_7 = arith.constant 640 : i32
    %mul3A_8 = arith.muli %arg1, %mul3A_7 : i32
    %add3A_9 = arith.constant 0 : i32
    %add3A_10 = arith.addi %mul3A_8, %add3A_9 : i32
    "tpu.region"() ({
      %run_scoped3A = tpu.sem_alloc : memref<!tpu.dma_semaphore, #tpu.memory_space<semaphore_mem>>
      %dma_start3A = arith.constant 0 : i32
      %dma_start3A_39 = tpu.memref_slice %arg10[%add3A_10, %dma_start3A] : memref<10240x128xf32, #tpu.memory_space<vmem_shared>> -> memref<128x128xf32, #tpu.memory_space<vmem_shared>>
      %dma_start3A_40 = arith.constant 0 : i32
      %dma_start3A_41 = tpu.memref_slice %arg10[%add3A_10, %dma_start3A_40] : memref<10240x128xf32, #tpu.memory_space<vmem_shared>> -> memref<128x128xf32, #tpu.memory_space<vmem_shared>>
      tpu.enqueue_dma source(%arg9 : memref<128x128xf32, #tpu.memory_space<vmem>>) target(%dma_start3A_41 : memref<128x128xf32, #tpu.memory_space<vmem_shared>>) target_semaphore(%run_scoped3A : memref<!tpu.dma_semaphore, #tpu.memory_space<semaphore_mem>>)
      %dma_wait3A = arith.constant 0 : i32
      %dma_wait3A_42 = tpu.memref_slice %arg10[%add3A_10, %dma_wait3A] : memref<10240x128xf32, #tpu.memory_space<vmem_shared>> -> memref<128x128xf32, #tpu.memory_space<vmem_shared>>
      %dma_wait3A_43 = arith.constant 0 : i32
      %dma_wait3A_44 = tpu.memref_slice %arg10[%add3A_10, %dma_wait3A_43] : memref<10240x128xf32, #tpu.memory_space<vmem_shared>> -> memref<128x128xf32, #tpu.memory_space<vmem_shared>>
      tpu.wait_dma2 semaphore(%run_scoped3A : memref<!tpu.dma_semaphore, #tpu.memory_space<semaphore_mem>>) src(%arg9 : memref<128x128xf32, #tpu.memory_space<vmem>>) dst(%dma_wait3A_44 : memref<128x128xf32, #tpu.memory_space<vmem_shared>>)
      tpu.yield
    }) : () -> ()
    %mul3A_11 = arith.constant 640 : i32
    %mul3A_12 = arith.muli %arg1, %mul3A_11 : i32
    %add3A_13 = arith.constant 128 : i32
    %add3A_14 = arith.addi %mul3A_12, %add3A_13 : i32
    "tpu.region"() ({
      %run_scoped3A = tpu.sem_alloc : memref<!tpu.dma_semaphore, #tpu.memory_space<semaphore_mem>>
      %dma_start3A = arith.constant 0 : i32
      %dma_start3A_39 = tpu.memref_slice %arg10[%add3A_14, %dma_start3A] : memref<10240x128xf32, #tpu.memory_space<vmem_shared>> -> memref<128x128xf32, #tpu.memory_space<vmem_shared>>
      %dma_start3A_40 = arith.constant 0 : i32
      %dma_start3A_41 = tpu.memref_slice %arg10[%add3A_14, %dma_start3A_40] : memref<10240x128xf32, #tpu.memory_space<vmem_shared>> -> memref<128x128xf32, #tpu.memory_space<vmem_shared>>
      tpu.enqueue_dma source(%arg9 : memref<128x128xf32, #tpu.memory_space<vmem>>) target(%dma_start3A_41 : memref<128x128xf32, #tpu.memory_space<vmem_shared>>) target_semaphore(%run_scoped3A : memref<!tpu.dma_semaphore, #tpu.memory_space<semaphore_mem>>)
      %dma_wait3A = arith.constant 0 : i32
      %dma_wait3A_42 = tpu.memref_slice %arg10[%add3A_14, %dma_wait3A] : memref<10240x128xf32, #tpu.memory_space<vmem_shared>> -> memref<128x128xf32, #tpu.memory_space<vmem_shared>>
      %dma_wait3A_43 = arith.constant 0 : i32
      %dma_wait3A_44 = tpu.memref_slice %arg10[%add3A_14, %dma_wait3A_43] : memref<10240x128xf32, #tpu.memory_space<vmem_shared>> -> memref<128x128xf32, #tpu.memory_space<vmem_shared>>
      tpu.wait_dma2 semaphore(%run_scoped3A : memref<!tpu.dma_semaphore, #tpu.memory_space<semaphore_mem>>) src(%arg9 : memref<128x128xf32, #tpu.memory_space<vmem>>) dst(%dma_wait3A_44 : memref<128x128xf32, #tpu.memory_space<vmem_shared>>)
      tpu.yield
    }) : () -> ()
    %mul3A_15 = arith.constant 640 : i32
    %mul3A_16 = arith.muli %arg1, %mul3A_15 : i32
    %add3A_17 = arith.constant 256 : i32
    %add3A_18 = arith.addi %mul3A_16, %add3A_17 : i32
    "tpu.region"() ({
      %run_scoped3A = tpu.sem_alloc : memref<!tpu.dma_semaphore, #tpu.memory_space<semaphore_mem>>
      %dma_start3A = arith.constant 0 : i32
      %dma_start3A_39 = tpu.memref_slice %arg10[%add3A_18, %dma_start3A] : memref<10240x128xf32, #tpu.memory_space<vmem_shared>> -> memref<128x128xf32, #tpu.memory_space<vmem_shared>>
      %dma_start3A_40 = arith.constant 0 : i32
      %dma_start3A_41 = tpu.memref_slice %arg10[%add3A_18, %dma_start3A_40] : memref<10240x128xf32, #tpu.memory_space<vmem_shared>> -> memref<128x128xf32, #tpu.memory_space<vmem_shared>>
      tpu.enqueue_dma source(%arg9 : memref<128x128xf32, #tpu.memory_space<vmem>>) target(%dma_start3A_41 : memref<128x128xf32, #tpu.memory_space<vmem_shared>>) target_semaphore(%run_scoped3A : memref<!tpu.dma_semaphore, #tpu.memory_space<semaphore_mem>>)
      %dma_wait3A = arith.constant 0 : i32
      %dma_wait3A_42 = tpu.memref_slice %arg10[%add3A_18, %dma_wait3A] : memref<10240x128xf32, #tpu.memory_space<vmem_shared>> -> memref<128x128xf32, #tpu.memory_space<vmem_shared>>
      %dma_wait3A_43 = arith.constant 0 : i32
      %dma_wait3A_44 = tpu.memref_slice %arg10[%add3A_18, %dma_wait3A_43] : memref<10240x128xf32, #tpu.memory_space<vmem_shared>> -> memref<128x128xf32, #tpu.memory_space<vmem_shared>>
      tpu.wait_dma2 semaphore(%run_scoped3A : memref<!tpu.dma_semaphore, #tpu.memory_space<semaphore_mem>>) src(%arg9 : memref<128x128xf32, #tpu.memory_space<vmem>>) dst(%dma_wait3A_44 : memref<128x128xf32, #tpu.memory_space<vmem_shared>>)
      tpu.yield
    }) : () -> ()
    %mul3A_19 = arith.constant 640 : i32
    %mul3A_20 = arith.muli %arg1, %mul3A_19 : i32
    %add3A_21 = arith.constant 384 : i32
    %add3A_22 = arith.addi %mul3A_20, %add3A_21 : i32
    "tpu.region"() ({
      %run_scoped3A = tpu.sem_alloc : memref<!tpu.dma_semaphore, #tpu.memory_space<semaphore_mem>>
      %dma_start3A = arith.constant 0 : i32
      %dma_start3A_39 = tpu.memref_slice %arg10[%add3A_22, %dma_start3A] : memref<10240x128xf32, #tpu.memory_space<vmem_shared>> -> memref<128x128xf32, #tpu.memory_space<vmem_shared>>
      %dma_start3A_40 = arith.constant 0 : i32
      %dma_start3A_41 = tpu.memref_slice %arg10[%add3A_22, %dma_start3A_40] : memref<10240x128xf32, #tpu.memory_space<vmem_shared>> -> memref<128x128xf32, #tpu.memory_space<vmem_shared>>
      tpu.enqueue_dma source(%arg9 : memref<128x128xf32, #tpu.memory_space<vmem>>) target(%dma_start3A_41 : memref<128x128xf32, #tpu.memory_space<vmem_shared>>) target_semaphore(%run_scoped3A : memref<!tpu.dma_semaphore, #tpu.memory_space<semaphore_mem>>)
      %dma_wait3A = arith.constant 0 : i32
      %dma_wait3A_42 = tpu.memref_slice %arg10[%add3A_22, %dma_wait3A] : memref<10240x128xf32, #tpu.memory_space<vmem_shared>> -> memref<128x128xf32, #tpu.memory_space<vmem_shared>>
      %dma_wait3A_43 = arith.constant 0 : i32
      %dma_wait3A_44 = tpu.memref_slice %arg10[%add3A_22, %dma_wait3A_43] : memref<10240x128xf32, #tpu.memory_space<vmem_shared>> -> memref<128x128xf32, #tpu.memory_space<vmem_shared>>
      tpu.wait_dma2 semaphore(%run_scoped3A : memref<!tpu.dma_semaphore, #tpu.memory_space<semaphore_mem>>) src(%arg9 : memref<128x128xf32, #tpu.memory_space<vmem>>) dst(%dma_wait3A_44 : memref<128x128xf32, #tpu.memory_space<vmem_shared>>)
      tpu.yield
    }) : () -> ()
    %mul3A_23 = arith.constant 640 : i32
    %mul3A_24 = arith.muli %arg1, %mul3A_23 : i32
    %add3A_25 = arith.constant 512 : i32
    %add3A_26 = arith.addi %mul3A_24, %add3A_25 : i32
    "tpu.region"() ({
      %run_scoped3A = tpu.sem_alloc : memref<!tpu.dma_semaphore, #tpu.memory_space<semaphore_mem>>
      %dma_start3A = arith.constant 0 : i32
      %dma_start3A_39 = tpu.memref_slice %arg10[%add3A_26, %dma_start3A] : memref<10240x128xf32, #tpu.memory_space<vmem_shared>> -> memref<128x128xf32, #tpu.memory_space<vmem_shared>>
      %dma_start3A_40 = arith.constant 0 : i32
      %dma_start3A_41 = tpu.memref_slice %arg10[%add3A_26, %dma_start3A_40] : memref<10240x128xf32, #tpu.memory_space<vmem_shared>> -> memref<128x128xf32, #tpu.memory_space<vmem_shared>>
      tpu.enqueue_dma source(%arg9 : memref<128x128xf32, #tpu.memory_space<vmem>>) target(%dma_start3A_41 : memref<128x128xf32, #tpu.memory_space<vmem_shared>>) target_semaphore(%run_scoped3A : memref<!tpu.dma_semaphore, #tpu.memory_space<semaphore_mem>>)
      %dma_wait3A = arith.constant 0 : i32
      %dma_wait3A_42 = tpu.memref_slice %arg10[%add3A_26, %dma_wait3A] : memref<10240x128xf32, #tpu.memory_space<vmem_shared>> -> memref<128x128xf32, #tpu.memory_space<vmem_shared>>
      %dma_wait3A_43 = arith.constant 0 : i32
      %dma_wait3A_44 = tpu.memref_slice %arg10[%add3A_26, %dma_wait3A_43] : memref<10240x128xf32, #tpu.memory_space<vmem_shared>> -> memref<128x128xf32, #tpu.memory_space<vmem_shared>>
      tpu.wait_dma2 semaphore(%run_scoped3A : memref<!tpu.dma_semaphore, #tpu.memory_space<semaphore_mem>>) src(%arg9 : memref<128x128xf32, #tpu.memory_space<vmem>>) dst(%dma_wait3A_44 : memref<128x128xf32, #tpu.memory_space<vmem_shared>>)
      tpu.yield
    }) : () -> ()
    %barrier3A = arith.constant 0 : index
    tpu.barrier barrier_id(%barrier3A)
    "tpu.region"() ({
      %run_scoped3A = tpu.sem_alloc : memref<!tpu.dma_semaphore, #tpu.memory_space<semaphore_mem>>
      %dma_start3A = arith.constant 0 : i32
      %dma_start3A_39 = arith.constant 0 : i32
      %dma_start3A_40 = tpu.memref_slice %arg3[%add3A, %dma_start3A, %dma_start3A_39] : memref<32x40x125xi32, #tpu.memory_space<hbm>> -> memref<1x40x125xi32, #tpu.memory_space<hbm>>
      %dma_start3A_41 = tpu.memref_squeeze %dma_start3A_40 : memref<1x40x125xi32, #tpu.memory_space<hbm>> -> memref<40x125xi32, #tpu.memory_space<hbm>>
      %dma_start3A_42 = arith.constant 0 : i32
      %dma_start3A_43 = arith.constant 0 : i32
      %dma_start3A_44 = tpu.memref_slice %arg3[%add3A, %dma_start3A_42, %dma_start3A_43] : memref<32x40x125xi32, #tpu.memory_space<hbm>> -> memref<1x40x125xi32, #tpu.memory_space<hbm>>
      %dma_start3A_45 = tpu.memref_squeeze %dma_start3A_44 : memref<1x40x125xi32, #tpu.memory_space<hbm>> -> memref<40x125xi32, #tpu.memory_space<hbm>>
      tpu.enqueue_dma source(%dma_start3A_45 : memref<40x125xi32, #tpu.memory_space<hbm>>) target(%arg6 : memref<40x125xi32, #tpu.memory_space<vmem>>) target_semaphore(%run_scoped3A : memref<!tpu.dma_semaphore, #tpu.memory_space<semaphore_mem>>)
      %dma_wait3A = arith.constant 0 : i32
      %dma_wait3A_46 = arith.constant 0 : i32
      %dma_wait3A_47 = tpu.memref_slice %arg3[%add3A, %dma_wait3A, %dma_wait3A_46] : memref<32x40x125xi32, #tpu.memory_space<hbm>> -> memref<1x40x125xi32, #tpu.memory_space<hbm>>
      %dma_wait3A_48 = tpu.memref_squeeze %dma_wait3A_47 : memref<1x40x125xi32, #tpu.memory_space<hbm>> -> memref<40x125xi32, #tpu.memory_space<hbm>>
      %dma_wait3A_49 = arith.constant 0 : i32
      %dma_wait3A_50 = arith.constant 0 : i32
      %dma_wait3A_51 = tpu.memref_slice %arg3[%add3A, %dma_wait3A_49, %dma_wait3A_50] : memref<32x40x125xi32, #tpu.memory_space<hbm>> -> memref<1x40x125xi32, #tpu.memory_space<hbm>>
      %dma_wait3A_52 = tpu.memref_squeeze %dma_wait3A_51 : memref<1x40x125xi32, #tpu.memory_space<hbm>> -> memref<40x125xi32, #tpu.memory_space<hbm>>
      tpu.wait_dma2 semaphore(%run_scoped3A : memref<!tpu.dma_semaphore, #tpu.memory_space<semaphore_mem>>) src(%dma_wait3A_52 : memref<40x125xi32, #tpu.memory_space<hbm>>) dst(%arg6 : memref<40x125xi32, #tpu.memory_space<vmem>>)
      tpu.yield
    }) : () -> ()
    "tpu.region"() ({
      %run_scoped3A = tpu.sem_alloc : memref<!tpu.dma_semaphore, #tpu.memory_space<semaphore_mem>>
      %dma_start3A = arith.constant 0 : i32
      %dma_start3A_39 = arith.constant 0 : i32
      %dma_start3A_40 = tpu.memref_slice %arg4[%add3A, %dma_start3A, %dma_start3A_39] : memref<32x40x125xi32, #tpu.memory_space<hbm>> -> memref<1x40x125xi32, #tpu.memory_space<hbm>>
      %dma_start3A_41 = tpu.memref_squeeze %dma_start3A_40 : memref<1x40x125xi32, #tpu.memory_space<hbm>> -> memref<40x125xi32, #tpu.memory_space<hbm>>
      %dma_start3A_42 = arith.constant 0 : i32
      %dma_start3A_43 = arith.constant 0 : i32
      %dma_start3A_44 = tpu.memref_slice %arg4[%add3A, %dma_start3A_42, %dma_start3A_43] : memref<32x40x125xi32, #tpu.memory_space<hbm>> -> memref<1x40x125xi32, #tpu.memory_space<hbm>>
      %dma_start3A_45 = tpu.memref_squeeze %dma_start3A_44 : memref<1x40x125xi32, #tpu.memory_space<hbm>> -> memref<40x125xi32, #tpu.memory_space<hbm>>
      tpu.enqueue_dma source(%dma_start3A_45 : memref<40x125xi32, #tpu.memory_space<hbm>>) target(%arg7 : memref<40x125xi32, #tpu.memory_space<vmem>>) target_semaphore(%run_scoped3A : memref<!tpu.dma_semaphore, #tpu.memory_space<semaphore_mem>>)
      %dma_wait3A = arith.constant 0 : i32
      %dma_wait3A_46 = arith.constant 0 : i32
      %dma_wait3A_47 = tpu.memref_slice %arg4[%add3A, %dma_wait3A, %dma_wait3A_46] : memref<32x40x125xi32, #tpu.memory_space<hbm>> -> memref<1x40x125xi32, #tpu.memory_space<hbm>>
      %dma_wait3A_48 = tpu.memref_squeeze %dma_wait3A_47 : memref<1x40x125xi32, #tpu.memory_space<hbm>> -> memref<40x125xi32, #tpu.memory_space<hbm>>
      %dma_wait3A_49 = arith.constant 0 : i32
      %dma_wait3A_50 = arith.constant 0 : i32
      %dma_wait3A_51 = tpu.memref_slice %arg4[%add3A, %dma_wait3A_49, %dma_wait3A_50] : memref<32x40x125xi32, #tpu.memory_space<hbm>> -> memref<1x40x125xi32, #tpu.memory_space<hbm>>
      %dma_wait3A_52 = tpu.memref_squeeze %dma_wait3A_51 : memref<1x40x125xi32, #tpu.memory_space<hbm>> -> memref<40x125xi32, #tpu.memory_space<hbm>>
      tpu.wait_dma2 semaphore(%run_scoped3A : memref<!tpu.dma_semaphore, #tpu.memory_space<semaphore_mem>>) src(%dma_wait3A_52 : memref<40x125xi32, #tpu.memory_space<hbm>>) dst(%arg7 : memref<40x125xi32, #tpu.memory_space<vmem>>)
      tpu.yield
    }) : () -> ()
    %scan3A_27 = arith.constant 0 : i32
    %scan3A_28 = arith.constant 0 : i32
    %scan3A_29 = arith.constant 40 : i32
    %scan3A_30 = arith.addi %scan3A_28, %scan3A_29 : i32
    %scan3A_31 = arith.constant 1 : i32
    %scan3A_32 = scf.for %scan3A_39 = %scan3A_28 to %scan3A_30 step %scan3A_31 iter_args(%scan3A_40 = %scan3A_27) -> (i32)  : i32 {
      "tpu.region"() ({
        %run_scoped3A = tpu.sem_alloc : memref<!tpu.dma_semaphore, #tpu.memory_space<semaphore_mem>>
        %dma_start3A = arith.constant 0 : i32
        %dma_start3A_42 = tpu.memref_slice %arg6[%scan3A_39, %dma_start3A] : memref<40x125xi32, #tpu.memory_space<vmem>> -> memref<1x125xi32, #tpu.memory_space<vmem>>
        %dma_start3A_43 = tpu.memref_squeeze %dma_start3A_42 : memref<1x125xi32, #tpu.memory_space<vmem>> -> memref<125xi32, #tpu.memory_space<vmem>>
        %dma_start3A_44 = arith.constant 0 : i32
        %dma_start3A_45 = arith.constant 0 : i32
        %dma_start3A_46 = tpu.memref_slice %arg2[%dma_start3A_44, %dma_start3A_45] : memref<10000x128xf32, #tpu.memory_space<hbm>> -> memref<10000x128xf32, #tpu.memory_space<hbm>>
        tpu.enqueue_indirect_dma source(%dma_start3A_46 : memref<10000x128xf32, #tpu.memory_space<hbm>>) target(%arg8 : memref<125x128xf32, #tpu.memory_space<vmem>>) offsets(%dma_start3A_43 : memref<125xi32, #tpu.memory_space<vmem>>) semaphore(%run_scoped3A : memref<!tpu.dma_semaphore, #tpu.memory_space<semaphore_mem>>)
        %dma_wait3A = arith.constant 0 : i32
        %dma_wait3A_47 = tpu.memref_slice %arg6[%scan3A_39, %dma_wait3A] : memref<40x125xi32, #tpu.memory_space<vmem>> -> memref<1x125xi32, #tpu.memory_space<vmem>>
        %dma_wait3A_48 = tpu.memref_squeeze %dma_wait3A_47 : memref<1x125xi32, #tpu.memory_space<vmem>> -> memref<125xi32, #tpu.memory_space<vmem>>
        %dma_wait3A_49 = arith.constant 0 : i32
        %dma_wait3A_50 = arith.constant 0 : i32
        %dma_wait3A_51 = tpu.memref_slice %arg2[%dma_wait3A_49, %dma_wait3A_50] : memref<10000x128xf32, #tpu.memory_space<hbm>> -> memref<10000x128xf32, #tpu.memory_space<hbm>>
        tpu.wait_indirect_dma semaphore(%run_scoped3A : memref<!tpu.dma_semaphore, #tpu.memory_space<semaphore_mem>>) src(%dma_wait3A_51 : memref<10000x128xf32, #tpu.memory_space<hbm>>) dst(%arg8 : memref<125x128xf32, #tpu.memory_space<vmem>>)
        tpu.yield
      }) : () -> ()
      "tpu.region"() ({
        %run_scoped3A = tpu.sem_alloc : memref<!tpu.dma_semaphore, #tpu.memory_space<semaphore_mem>>
        %dma_start3A = arith.constant 0 : i32
        %dma_start3A_42 = tpu.memref_slice %arg7[%scan3A_39, %dma_start3A] : memref<40x125xi32, #tpu.memory_space<vmem>> -> memref<1x125xi32, #tpu.memory_space<vmem>>
        %dma_start3A_43 = tpu.memref_squeeze %dma_start3A_42 : memref<1x125xi32, #tpu.memory_space<vmem>> -> memref<125xi32, #tpu.memory_space<vmem>>
        %dma_start3A_44 = arith.constant 0 : i32
        %dma_start3A_45 = arith.constant 0 : i32
        %dma_start3A_46 = tpu.memref_slice %arg10[%dma_start3A_44, %dma_start3A_45] : memref<10240x128xf32, #tpu.memory_space<vmem_shared>> -> memref<10240x128xf32, #tpu.memory_space<vmem_shared>>
        tpu.enqueue_indirect_dma source(%arg8 : memref<125x128xf32, #tpu.memory_space<vmem>>) target(%dma_start3A_46 : memref<10240x128xf32, #tpu.memory_space<vmem_shared>>) offsets(%dma_start3A_43 : memref<125xi32, #tpu.memory_space<vmem>>) semaphore(%run_scoped3A : memref<!tpu.dma_semaphore, #tpu.memory_space<semaphore_mem>>) {add = true}
        %dma_wait3A = arith.constant 0 : i32
        %dma_wait3A_47 = tpu.memref_slice %arg7[%scan3A_39, %dma_wait3A] : memref<40x125xi32, #tpu.memory_space<vmem>> -> memref<1x125xi32, #tpu.memory_space<vmem>>
        %dma_wait3A_48 = tpu.memref_squeeze %dma_wait3A_47 : memref<1x125xi32, #tpu.memory_space<vmem>> -> memref<125xi32, #tpu.memory_space<vmem>>
        %dma_wait3A_49 = arith.constant 0 : i32
        %dma_wait3A_50 = arith.constant 0 : i32
        %dma_wait3A_51 = tpu.memref_slice %arg10[%dma_wait3A_49, %dma_wait3A_50] : memref<10240x128xf32, #tpu.memory_space<vmem_shared>> -> memref<10240x128xf32, #tpu.memory_space<vmem_shared>>
        tpu.wait_indirect_dma semaphore(%run_scoped3A : memref<!tpu.dma_semaphore, #tpu.memory_space<semaphore_mem>>) src(%arg8 : memref<125x128xf32, #tpu.memory_space<vmem>>) dst(%dma_wait3A_51 : memref<10240x128xf32, #tpu.memory_space<vmem_shared>>)
        tpu.yield
      }) : () -> ()
      %scan3A_41 = arith.constant 0 : i32
      scf.yield %scan3A_41 : i32
    }
    %scan3A_33 = arith.constant 40 : i32
    %barrier3A_34 = arith.constant 0 : index
    tpu.barrier barrier_id(%barrier3A_34)
    %mul3A_35 = arith.constant 640 : i32
    %mul3A_36 = arith.muli %arg1, %mul3A_35 : i32
    %mul3A_37 = arith.constant 640 : i32
    %mul3A_38 = arith.muli %arg1, %mul3A_37 : i32
    "tpu.region"() ({
      %run_scoped3A = tpu.sem_alloc : memref<!tpu.dma_semaphore, #tpu.memory_space<semaphore_mem>>
      %dma_start3A = arith.constant 0 : i32
      %dma_start3A_39 = tpu.memref_slice %arg5[%arg0, %mul3A_38, %dma_start3A] : memref<2x10240x128xf32, #tpu.memory_space<hbm>> -> memref<1x640x128xf32, #tpu.memory_space<hbm>>
      %dma_start3A_40 = tpu.memref_squeeze %dma_start3A_39 : memref<1x640x128xf32, #tpu.memory_space<hbm>> -> memref<640x128xf32, #tpu.memory_space<hbm>>
      %dma_start3A_41 = arith.constant 0 : i32
      %dma_start3A_42 = tpu.memref_slice %arg10[%mul3A_36, %dma_start3A_41] : memref<10240x128xf32, #tpu.memory_space<vmem_shared>> -> memref<640x128xf32, #tpu.memory_space<vmem_shared>>
      tpu.enqueue_dma source(%dma_start3A_42 : memref<640x128xf32, #tpu.memory_space<vmem_shared>>) target(%dma_start3A_40 : memref<640x128xf32, #tpu.memory_space<hbm>>) target_semaphore(%run_scoped3A : memref<!tpu.dma_semaphore, #tpu.memory_space<semaphore_mem>>)
      %dma_wait3A = arith.constant 0 : i32
      %dma_wait3A_43 = tpu.memref_slice %arg5[%arg0, %mul3A_38, %dma_wait3A] : memref<2x10240x128xf32, #tpu.memory_space<hbm>> -> memref<1x640x128xf32, #tpu.memory_space<hbm>>
      %dma_wait3A_44 = tpu.memref_squeeze %dma_wait3A_43 : memref<1x640x128xf32, #tpu.memory_space<hbm>> -> memref<640x128xf32, #tpu.memory_space<hbm>>
      %dma_wait3A_45 = arith.constant 0 : i32
      %dma_wait3A_46 = tpu.memref_slice %arg10[%mul3A_36, %dma_wait3A_45] : memref<10240x128xf32, #tpu.memory_space<vmem_shared>> -> memref<640x128xf32, #tpu.memory_space<vmem_shared>>
      tpu.wait_dma2 semaphore(%run_scoped3A : memref<!tpu.dma_semaphore, #tpu.memory_space<semaphore_mem>>) src(%dma_wait3A_46 : memref<640x128xf32, #tpu.memory_space<vmem_shared>>) dst(%dma_wait3A_44 : memref<640x128xf32, #tpu.memory_space<hbm>>)
      tpu.yield
    }) : () -> ()
    return
  }
}

module attributes {stable_mosaic.version = 14 : i64} {
  func.func @_aux_body(%arg0: i32, %arg1: memref<1x1280xf32, #tpu.memory_space<vmem>>, %arg2: memref<16x1280xf32, #tpu.memory_space<vmem>>, %arg3: memref<1280x128xf32, #tpu.memory_space<vmem>>) attributes {dimension_semantics = [#tpu.dimension_semantics<arbitrary>], iteration_bounds = array<i64: 125>, scalar_prefetch = 0 : i64, scratch_operands = 0 : i64, tpu.core_type = #tpu.core_type<tc>, window_params = [{transform_indices = @transform_0, window_bounds = array<i64: 1, 1280>}, {transform_indices = @transform_1, window_bounds = array<i64: 16, 1280>}, {transform_indices = @transform_2, window_bounds = array<i64: 1280, 128>}]} {
    %get3A = arith.constant 0 : index
    %get3A_0 = arith.constant 0 : index
    %get3A_1 = vector.load %arg1[%get3A, %get3A_0] : memref<1x1280xf32, #tpu.memory_space<vmem>>, vector<1x1280xf32>
    %get3A_2 = arith.constant 0 : index
    %get3A_3 = arith.constant 0 : index
    %get3A_4 = vector.load %arg2[%get3A_2, %get3A_3] : memref<16x1280xf32, #tpu.memory_space<vmem>>, vector<16x1280xf32>
    %iota3A = tpu.iota {dimensions = array<i32: 0>} : vector<16x128xi32>
    %iota3A_5 = tpu.iota {dimensions = array<i32: 1>} : vector<16x128xi32>
    %add3A = arith.constant 0 : i32
    %add3A_6 = vector.broadcast %add3A : i32 to vector<16x128xi32>
    %add3A_7 = arith.addi %iota3A, %add3A_6 : vector<16x128xi32>
    %eq3A = arith.cmpi eq, %add3A_7, %iota3A_5 : vector<16x128xi32>
    %convert_element_type3A = arith.extui %eq3A : vector<16x128xi1> to vector<16x128xi32>
    %convert_element_type3A_8 = arith.sitofp %convert_element_type3A : vector<16x128xi32> to vector<16x128xf32>
    %iota3A_9 = tpu.iota {dimensions = array<i32: 1>} : vector<1x128xi32>
    %eq3A_10 = arith.constant 16 : i32
    %eq3A_11 = vector.broadcast %eq3A_10 : i32 to vector<1x128xi32>
    %eq3A_12 = arith.cmpi eq, %iota3A_9, %eq3A_11 : vector<1x128xi32>
    %convert_element_type3A_13 = arith.extui %eq3A_12 : vector<1x128xi1> to vector<1x128xi32>
    %convert_element_type3A_14 = arith.sitofp %convert_element_type3A_13 : vector<1x128xi32> to vector<1x128xf32>
    %eq3A_15 = arith.constant 17 : i32
    %eq3A_16 = vector.broadcast %eq3A_15 : i32 to vector<1x128xi32>
    %eq3A_17 = arith.cmpi eq, %iota3A_9, %eq3A_16 : vector<1x128xi32>
    %convert_element_type3A_18 = arith.extui %eq3A_17 : vector<1x128xi1> to vector<1x128xi32>
    %convert_element_type3A_19 = arith.sitofp %convert_element_type3A_18 : vector<1x128xi32> to vector<1x128xf32>
    %mul3A = vector.broadcast %get3A_1 : vector<1x1280xf32> to vector<16x1280xf32>
    %mul3A_20 = arith.mulf %mul3A, %get3A_4 : vector<16x1280xf32>
    %concatenate3A = tpu.concatenate %mul3A_20, %get3A_1 in 0 : vector<16x1280xf32>, vector<1x1280xf32> -> vector<17x1280xf32>
    %concatenate3A_21 = tpu.concatenate %convert_element_type3A_8, %convert_element_type3A_14 in 0 : vector<16x128xf32>, vector<1x128xf32> -> vector<17x128xf32>
    %dot_general3A = arith.constant dense<0.000000e+00> : vector<1280x128xf32>
    %dot_general3A_22 = tpu.matmul %concatenate3A, %concatenate3A_21, %dot_general3A {dimension_numbers = #tpu.dot_dimension_numbers<[0], [0], [1], [1], [0, 1, 1, 1], [], []>, transpose_lhs_hint = true} : vector<17x1280xf32>, vector<17x128xf32>, vector<1280x128xf32> -> vector<1280x128xf32>
    %add3A_23 = vector.broadcast %convert_element_type3A_19 : vector<1x128xf32> to vector<1280x128xf32>
    %add3A_24 = arith.addf %dot_general3A_22, %add3A_23 : vector<1280x128xf32>
    %swap3A = arith.constant 0 : index
    %swap3A_25 = arith.constant 0 : index
    %swap3A_26 = vector.load %arg3[%swap3A, %swap3A_25] : memref<1280x128xf32, #tpu.memory_space<vmem>>, vector<1280x128xf32>
    tpu.vector_store %arg3[%swap3A, %swap3A_25], %add3A_24 {strides = array<i32>} : memref<1280x128xf32, #tpu.memory_space<vmem>>, vector<1280x128xf32>,
    return
  }
  func.func @transform_0(%arg0: i32) -> (i32, i32) {
    %c0_i32 = arith.constant 0 : i32
    %c0_i32_0 = arith.constant 0 : i32
    return %c0_i32, %arg0 : i32, i32
  }
  func.func @transform_1(%arg0: i32) -> (i32, i32) {
    %c0_i32 = arith.constant 0 : i32
    %c0_i32_0 = arith.constant 0 : i32
    return %c0_i32, %arg0 : i32, i32
  }
  func.func @transform_2(%arg0: i32) -> (i32, i32) {
    %c0_i32 = arith.constant 0 : i32
    %c0_i32_0 = arith.constant 0 : i32
    return %arg0, %c0_i32 : i32, i32
  }
}

module attributes {stable_mosaic.version = 14 : i64} {
  func.func @_proj_body(%arg0: i32, %arg1: memref<1000x128xf32, #tpu.memory_space<vmem>>, %arg2: memref<128x128xf32, #tpu.memory_space<vmem>>, %arg3: memref<1000x1xf32, #tpu.memory_space<vmem>>, %arg4: memref<1000x128xf32, #tpu.memory_space<vmem>>, %arg5: memref<1000x128xf32, #tpu.memory_space<vmem>>) attributes {dimension_semantics = [#tpu.dimension_semantics<arbitrary>], iteration_bounds = array<i64: 10>, scalar_prefetch = 0 : i64, scratch_operands = 0 : i64, tpu.core_type = #tpu.core_type<tc>, window_params = [{transform_indices = @transform_0, window_bounds = array<i64: 1000, 128>}, {pipeline_mode = #tpu.pipeline_mode<synchronous>, transform_indices = @transform_1, window_bounds = array<i64: 128, 128>}, {transform_indices = @transform_2, window_bounds = array<i64: 1000, 1>}, {transform_indices = @transform_3, window_bounds = array<i64: 1000, 128>}, {transform_indices = @transform_4, window_bounds = array<i64: 1000, 128>}]} {
    %get3A = arith.constant 0 : index
    %get3A_0 = arith.constant 0 : index
    %get3A_1 = vector.load %arg1[%get3A, %get3A_0] : memref<1000x128xf32, #tpu.memory_space<vmem>>, vector<1000x128xf32>
    %get3A_2 = arith.constant 0 : index
    %get3A_3 = arith.constant 0 : index
    %get3A_4 = vector.load %arg2[%get3A_2, %get3A_3] : memref<128x128xf32, #tpu.memory_space<vmem>>, vector<128x128xf32>
    %dot_general3A = arith.constant dense<0.000000e+00> : vector<1000x128xf32>
    %dot_general3A_5 = tpu.matmul %get3A_1, %get3A_4, %dot_general3A {dimension_numbers = #tpu.dot_dimension_numbers<[1], [1], [0], [0], [0, 0, 1, 0], [], []>, transpose_lhs_hint = false} : vector<1000x128xf32>, vector<128x128xf32>, vector<1000x128xf32> -> vector<1000x128xf32>
    %swap3A = arith.constant 0 : index
    %swap3A_6 = arith.constant 0 : index
    %swap3A_7 = vector.load %arg4[%swap3A, %swap3A_6] : memref<1000x128xf32, #tpu.memory_space<vmem>>, vector<1000x128xf32>
    tpu.vector_store %arg4[%swap3A, %swap3A_6], %dot_general3A_5 {strides = array<i32>} : memref<1000x128xf32, #tpu.memory_space<vmem>>, vector<1000x128xf32>,
    %get3A_8 = arith.constant 0 : index
    %get3A_9 = arith.constant 0 : index
    %get3A_10 = vector.load %arg3[%get3A_8, %get3A_9] : memref<1000x1xf32, #tpu.memory_space<vmem>>, vector<1000x1xf32>
    %mul3A = vector.broadcast %get3A_10 : vector<1000x1xf32> to vector<1000x128xf32>
    %mul3A_11 = arith.mulf %mul3A, %dot_general3A_5 : vector<1000x128xf32>
    %swap3A_12 = arith.constant 0 : index
    %swap3A_13 = arith.constant 0 : index
    %swap3A_14 = vector.load %arg5[%swap3A_12, %swap3A_13] : memref<1000x128xf32, #tpu.memory_space<vmem>>, vector<1000x128xf32>
    tpu.vector_store %arg5[%swap3A_12, %swap3A_13], %mul3A_11 {strides = array<i32>} : memref<1000x128xf32, #tpu.memory_space<vmem>>, vector<1000x128xf32>,
    return
  }
  func.func @transform_0(%arg0: i32) -> (i32, i32) {
    %c0_i32 = arith.constant 0 : i32
    %c0_i32_0 = arith.constant 0 : i32
    return %arg0, %c0_i32 : i32, i32
  }
  func.func @transform_1(%arg0: i32) -> (i32, i32) {
    %c0_i32 = arith.constant 0 : i32
    %c0_i32_0 = arith.constant 0 : i32
    %c0_i32_1 = arith.constant 0 : i32
    return %c0_i32, %c0_i32_0 : i32, i32
  }
  func.func @transform_2(%arg0: i32) -> (i32, i32) {
    %c0_i32 = arith.constant 0 : i32
    %c0_i32_0 = arith.constant 0 : i32
    return %arg0, %c0_i32 : i32, i32
  }
  func.func @transform_3(%arg0: i32) -> (i32, i32) {
    %c0_i32 = arith.constant 0 : i32
    %c0_i32_0 = arith.constant 0 : i32
    return %arg0, %c0_i32 : i32, i32
  }
  func.func @transform_4(%arg0: i32) -> (i32, i32) {
    %c0_i32 = arith.constant 0 : i32
    %c0_i32_0 = arith.constant 0 : i32
    return %arg0, %c0_i32 : i32, i32
  }
}

module attributes {stable_mosaic.version = 14 : i64} {
  func.func @_comb_body(%arg0: i32, %arg1: memref<2x1000x128xf32, #tpu.memory_space<vmem>>, %arg2: memref<2x1000x32xf32, #tpu.memory_space<vmem>>, %arg3: memref<1000x128xf32, #tpu.memory_space<vmem>>, %arg4: memref<1000x1xf32, #tpu.memory_space<vmem>>, %arg5: memref<128x16xf32, #tpu.memory_space<vmem>>, %arg6: memref<1x128xf32, #tpu.memory_space<vmem>>, %arg7: memref<128x384xf32, #tpu.memory_space<vmem>>, %arg8: memref<1x128xf32, #tpu.memory_space<vmem>>, %arg9: memref<1000x128xf32, #tpu.memory_space<vmem>>) attributes {dimension_semantics = [#tpu.dimension_semantics<arbitrary>], iteration_bounds = array<i64: 10>, scalar_prefetch = 0 : i64, scratch_operands = 0 : i64, tpu.core_type = #tpu.core_type<tc>, window_params = [{transform_indices = @transform_0, window_bounds = array<i64: 2, 1000, 128>}, {transform_indices = @transform_1, window_bounds = array<i64: 2, 1000, 32>}, {transform_indices = @transform_2, window_bounds = array<i64: 1000, 128>}, {transform_indices = @transform_3, window_bounds = array<i64: 1000, 1>}, {pipeline_mode = #tpu.pipeline_mode<synchronous>, transform_indices = @transform_4, window_bounds = array<i64: 128, 16>}, {pipeline_mode = #tpu.pipeline_mode<synchronous>, transform_indices = @transform_5, window_bounds = array<i64: 1, 128>}, {pipeline_mode = #tpu.pipeline_mode<synchronous>, transform_indices = @transform_6, window_bounds = array<i64: 128, 384>}, {pipeline_mode = #tpu.pipeline_mode<synchronous>, transform_indices = @transform_7, window_bounds = array<i64: 1, 128>}, {transform_indices = @transform_8, window_bounds = array<i64: 1000, 128>}]} {
    %get3A = arith.constant 0 : index
    %get3A_0 = arith.constant 0 : index
    %get3A_1 = arith.constant 0 : index
    %get3A_2 = vector.load %arg1[%get3A, %get3A_0, %get3A_1] : memref<2x1000x128xf32, #tpu.memory_space<vmem>>, vector<1x1000x128xf32>
    %get3A_3 = vector.shape_cast %get3A_2 : vector<1x1000x128xf32> to vector<1000x128xf32>
    %get3A_4 = arith.constant 1 : index
    %get3A_5 = arith.constant 0 : index
    %get3A_6 = arith.constant 0 : index
    %get3A_7 = vector.load %arg1[%get3A_4, %get3A_5, %get3A_6] : memref<2x1000x128xf32, #tpu.memory_space<vmem>>, vector<1x1000x128xf32>
    %get3A_8 = vector.shape_cast %get3A_7 : vector<1x1000x128xf32> to vector<1000x128xf32>
    %add3A = arith.addf %get3A_3, %get3A_8 : vector<1000x128xf32>
    %get3A_9 = arith.constant 0 : index
    %get3A_10 = arith.constant 0 : index
    %get3A_11 = arith.constant 0 : index
    %get3A_12 = vector.load %arg2[%get3A_9, %get3A_10, %get3A_11] : memref<2x1000x32xf32, #tpu.memory_space<vmem>>, vector<1x1000x32xf32>
    %get3A_13 = vector.shape_cast %get3A_12 : vector<1x1000x32xf32> to vector<1000x32xf32>
    %get3A_14 = arith.constant 1 : index
    %get3A_15 = arith.constant 0 : index
    %get3A_16 = arith.constant 0 : index
    %get3A_17 = vector.load %arg2[%get3A_14, %get3A_15, %get3A_16] : memref<2x1000x32xf32, #tpu.memory_space<vmem>>, vector<1x1000x32xf32>
    %get3A_18 = vector.shape_cast %get3A_17 : vector<1x1000x32xf32> to vector<1000x32xf32>
    %add3A_19 = arith.addf %get3A_13, %get3A_18 : vector<1000x32xf32>
    %slice3A = vector.extract_strided_slice %add3A_19 {offsets = [0, 0], sizes = [1000, 16], strides = [1, 1]} : vector<1000x32xf32> to vector<1000x16xf32>
    %slice3A_20 = vector.extract_strided_slice %add3A_19 {offsets = [0, 16], sizes = [1000, 1], strides = [1, 1]} : vector<1000x32xf32> to vector<1000x1xf32>
    %slice3A_21 = vector.extract_strided_slice %add3A_19 {offsets = [0, 17], sizes = [1000, 1], strides = [1, 1]} : vector<1000x32xf32> to vector<1000x1xf32>
    %get3A_22 = arith.constant 0 : index
    %get3A_23 = arith.constant 0 : index
    %get3A_24 = vector.load %arg5[%get3A_22, %get3A_23] : memref<128x16xf32, #tpu.memory_space<vmem>>, vector<128x16xf32>
    %dot_general3A = arith.constant dense<0.000000e+00> : vector<1000x128xf32>
    %dot_general3A_25 = tpu.matmul %slice3A, %get3A_24, %dot_general3A {dimension_numbers = #tpu.dot_dimension_numbers<[1], [1], [0], [0], [0, 0, 1, 0], [], []>, transpose_lhs_hint = false} : vector<1000x16xf32>, vector<128x16xf32>, vector<1000x128xf32> -> vector<1000x128xf32>
    %get3A_26 = arith.constant 0 : index
    %get3A_27 = arith.constant 0 : index
    %get3A_28 = vector.load %arg6[%get3A_26, %get3A_27] : memref<1x128xf32, #tpu.memory_space<vmem>>, vector<1x128xf32>
    %mul3A = vector.broadcast %slice3A_20 : vector<1000x1xf32> to vector<1000x128xf32>
    %mul3A_29 = vector.broadcast %get3A_28 : vector<1x128xf32> to vector<1000x128xf32>
    %mul3A_30 = arith.mulf %mul3A, %mul3A_29 : vector<1000x128xf32>
    %add3A_31 = arith.addf %dot_general3A_25, %mul3A_30 : vector<1000x128xf32>
    %get3A_32 = arith.constant 0 : index
    %get3A_33 = arith.constant 0 : index
    %get3A_34 = vector.load %arg7[%get3A_32, %get3A_33] : memref<128x384xf32, #tpu.memory_space<vmem>>, vector<128x384xf32>
    %slice3A_35 = vector.extract_strided_slice %get3A_34 {offsets = [0, 0], sizes = [128, 128], strides = [1, 1]} : vector<128x384xf32> to vector<128x128xf32>
    %dot_general3A_36 = arith.constant dense<0.000000e+00> : vector<1000x128xf32>
    %dot_general3A_37 = tpu.matmul %add3A, %slice3A_35, %dot_general3A_36 {dimension_numbers = #tpu.dot_dimension_numbers<[1], [1], [0], [0], [0, 0, 1, 0], [], []>, transpose_lhs_hint = false} : vector<1000x128xf32>, vector<128x128xf32>, vector<1000x128xf32> -> vector<1000x128xf32>
    %slice3A_38 = vector.extract_strided_slice %get3A_34 {offsets = [0, 128], sizes = [128, 128], strides = [1, 1]} : vector<128x384xf32> to vector<128x128xf32>
    %dot_general3A_39 = arith.constant dense<0.000000e+00> : vector<1000x128xf32>
    %dot_general3A_40 = tpu.matmul %add3A_31, %slice3A_38, %dot_general3A_39 {dimension_numbers = #tpu.dot_dimension_numbers<[1], [1], [0], [0], [0, 0, 1, 0], [], []>, transpose_lhs_hint = false} : vector<1000x128xf32>, vector<128x128xf32>, vector<1000x128xf32> -> vector<1000x128xf32>
    %add3A_41 = arith.addf %dot_general3A_37, %dot_general3A_40 : vector<1000x128xf32>
    %get3A_42 = arith.constant 0 : index
    %get3A_43 = arith.constant 0 : index
    %get3A_44 = vector.load %arg3[%get3A_42, %get3A_43] : memref<1000x128xf32, #tpu.memory_space<vmem>>, vector<1000x128xf32>
    %slice3A_45 = vector.extract_strided_slice %get3A_34 {offsets = [0, 256], sizes = [128, 128], strides = [1, 1]} : vector<128x384xf32> to vector<128x128xf32>
    %dot_general3A_46 = arith.constant dense<0.000000e+00> : vector<1000x128xf32>
    %dot_general3A_47 = tpu.matmul %get3A_44, %slice3A_45, %dot_general3A_46 {dimension_numbers = #tpu.dot_dimension_numbers<[1], [1], [0], [0], [0, 0, 1, 0], [], []>, transpose_lhs_hint = false} : vector<1000x128xf32>, vector<128x128xf32>, vector<1000x128xf32> -> vector<1000x128xf32>
    %add3A_48 = arith.addf %add3A_41, %dot_general3A_47 : vector<1000x128xf32>
    %get3A_49 = arith.constant 0 : index
    %get3A_50 = arith.constant 0 : index
    %get3A_51 = vector.load %arg8[%get3A_49, %get3A_50] : memref<1x128xf32, #tpu.memory_space<vmem>>, vector<1x128xf32>
    %add3A_52 = vector.broadcast %get3A_51 : vector<1x128xf32> to vector<1000x128xf32>
    %add3A_53 = arith.addf %add3A_48, %add3A_52 : vector<1000x128xf32>
    %get3A_54 = arith.constant 0 : index
    %get3A_55 = arith.constant 0 : index
    %get3A_56 = vector.load %arg4[%get3A_54, %get3A_55] : memref<1000x1xf32, #tpu.memory_space<vmem>>, vector<1000x1xf32>
    %max3A = arith.constant 0.000000e+00 : f32
    %max3A_57 = vector.broadcast %max3A : f32 to vector<1000x128xf32>
    %max3A_58 = arith.maximumf %add3A_53, %max3A_57 : vector<1000x128xf32>
    %mul3A_59 = vector.broadcast %get3A_56 : vector<1000x1xf32> to vector<1000x128xf32>
    %mul3A_60 = arith.mulf %mul3A_59, %max3A_58 : vector<1000x128xf32>
    %gt3A = arith.constant 0.000000e+00 : f32
    %gt3A_61 = vector.broadcast %gt3A : f32 to vector<1000x1xf32>
    %gt3A_62 = arith.cmpf ogt, %slice3A_21, %gt3A_61 : vector<1000x1xf32>
    %broadcast_in_dim3A = vector.shape_cast %gt3A_62 : vector<1000x1xi1> to vector<1000x1xi1>
    %broadcast_in_dim3A_63 = vector.broadcast %broadcast_in_dim3A : vector<1000x1xi1> to vector<1000x128xi1>
    %select_n3A = arith.select %broadcast_in_dim3A_63, %mul3A_60, %get3A_44 : vector<1000x128xi1>, vector<1000x128xf32>
    %swap3A = arith.constant 0 : index
    %swap3A_64 = arith.constant 0 : index
    %swap3A_65 = vector.load %arg9[%swap3A, %swap3A_64] : memref<1000x128xf32, #tpu.memory_space<vmem>>, vector<1000x128xf32>
    tpu.vector_store %arg9[%swap3A, %swap3A_64], %select_n3A {strides = array<i32>} : memref<1000x128xf32, #tpu.memory_space<vmem>>, vector<1000x128xf32>,
    return
  }
  func.func @transform_0(%arg0: i32) -> (i32, i32, i32) {
    %c0_i32 = arith.constant 0 : i32
    %c0_i32_0 = arith.constant 0 : i32
    %c0_i32_1 = arith.constant 0 : i32
    return %c0_i32, %arg0, %c0_i32_0 : i32, i32, i32
  }
  func.func @transform_1(%arg0: i32) -> (i32, i32, i32) {
    %c0_i32 = arith.constant 0 : i32
    %c0_i32_0 = arith.constant 0 : i32
    %c0_i32_1 = arith.constant 0 : i32
    return %c0_i32, %arg0, %c0_i32_0 : i32, i32, i32
  }
  func.func @transform_2(%arg0: i32) -> (i32, i32) {
    %c0_i32 = arith.constant 0 : i32
    %c0_i32_0 = arith.constant 0 : i32
    return %arg0, %c0_i32 : i32, i32
  }
  func.func @transform_3(%arg0: i32) -> (i32, i32) {
    %c0_i32 = arith.constant 0 : i32
    %c0_i32_0 = arith.constant 0 : i32
    return %arg0, %c0_i32 : i32, i32
  }
  func.func @transform_4(%arg0: i32) -> (i32, i32) {
    %c0_i32 = arith.constant 0 : i32
    %c0_i32_0 = arith.constant 0 : i32
    %c0_i32_1 = arith.constant 0 : i32
    return %c0_i32, %c0_i32_0 : i32, i32
  }
  func.func @transform_5(%arg0: i32) -> (i32, i32) {
    %c0_i32 = arith.constant 0 : i32
    %c0_i32_0 = arith.constant 0 : i32
    %c0_i32_1 = arith.constant 0 : i32
    return %c0_i32, %c0_i32_0 : i32, i32
  }
  func.func @transform_6(%arg0: i32) -> (i32, i32) {
    %c0_i32 = arith.constant 0 : i32
    %c0_i32_0 = arith.constant 0 : i32
    %c0_i32_1 = arith.constant 0 : i32
    return %c0_i32, %c0_i32_0 : i32, i32
  }
  func.func @transform_7(%arg0: i32) -> (i32, i32) {
    %c0_i32 = arith.constant 0 : i32
    %c0_i32_0 = arith.constant 0 : i32
    %c0_i32_1 = arith.constant 0 : i32
    return %c0_i32, %c0_i32_0 : i32, i32
  }
  func.func @transform_8(%arg0: i32) -> (i32, i32) {
    %c0_i32 = arith.constant 0 : i32
    %c0_i32_0 = arith.constant 0 : i32
    return %arg0, %c0_i32 : i32, i32
  }
}

</mosaic_0001>

<sc_bundles>
// kernel: kernel.10.cloned.1.call-start
scs
__scs_entry_jumppad:
0x0: {  	(pc) =	sbr.rel $0x88, $3  }
0x1: {  	(tag) =	ssettag $0x0;
	lr =	simm.s32 $0x1  }
0x2: {  	[smem:$0x3F97] =	sst lr;
	_ =	strace $0xD0000000  }
0x3: {  	_ = 	snop  }
0x4: {  	_ = 	snop  }
0x5: {  	_ = 	snop  }
0x6: {  	_ = 	snop  }
0x7: {  	_ = 	snop  }
__scs_overlays_trampoline_lowered:
0x8: {  	[smem:$0x3FA6] =	sst s0  }
0x9: {  	[smem:$0x3FA7] =	sst s1  }
0xa: {  	[smem:$0x3FA8] =	sst s2  }
0xb: {  	[smem:$0x3FA9] =	sst s3  }
0xc: {  	[smem:$0x3FAA] =	sst s4  }
0xd: {  	[smem:$0x3FAB] =	sst s5  }
0xe: {  	[smem:$0x3FAC] =	sst s6  }
0xf: {  	[smem:$0x3FAD] =	sst s7  }
0x10: {  	[smem:$0x3FAE] =	sst s8  }
0x11: {  	[smem:$0x3FAF] =	sst s9;
	s0 =	simm.s32 @!p0 $0x0  }
0x12: {  	s1 =	sld [smem:$0x3F95];
	s0 =	simm.s32 @p0 $0x1  }
0x13: {  	[smem:$0x3FB0] =	sst s0;
	s0 =	simm.s32 @!p1 $0x0  }
0x14: {  	s2 =	sld [smem:$0x3F94];
	s0 =	simm.s32 @p1 $0x1  }
0x15: {  	[smem:$0x3FB1] =	sst s0;
	s0 =	simm.s32 @!p2 $0x0  }
0x16: {  	s3 =	sld [smem:$0x3FDB];
	s0 =	simm.s32 @p2 $0x1  }
0x17: {  	s4 =	simm.s32 $0x1BF5;
	[smem:$0x3FB3] =	sst s0  }
0x18: {  	s0 =	sld [smem:$0x3F96];
	_ =	swait.ge [sflag:s4], $0x0  }
0x19: {  	s7 =	sld [smem:$0x3F97]  }
0x1a: {  	s8 =	sadd.s32 $0xFFFFE003, lr  }
0x1b: {  	s9 =	sadd.s32 $0xFFFFFEF7, lr;
	s5 =	simm.s32 $0xFFFFFFFF;
	p2 =	slt.u32 s8, $0xFFFFF086  }
0x1c: {  	p1 =	slt.u32 s9, $0xF7A;
	s5 =	simm.s32 @!p2 $0x0  }
0x1d: {  	s5 =	simm.s32 @p1 $0x1;
	p0 =	seq.s32 s7, s2  }
0x1e: {  	s7 =	smul.u32 @!p0 $0xF7A, s2;
	p2 =	seq.s32 @!p0 s5, $0x0  }
0x1f: {  	s9 =	smul.u32 $0xF7A, s1;
	s8 =	simm.s32 @!p0 $0x1BF5;
	p2 =	por !p2, p0  }
0x20: {  	[sflag:s8] =	ssyncset.s32 @!p0 $0xFFFFF086;
	s6 =	sadd.s32 @!p0 s3, s7;
	s7 =	simm.s32 @!p0 $0x108  }
0x21: {  	s3 =	sadd.s32 s3, s9;
	s6 =	sadd.s32 @!p0 $0x88, s6;
	s7 =	simm.s32 @p2 $0x1082  }
0x22: {  	[simem:s7], [sflag:s8] =	dma.local @!p0 [hbm:s6], $0xF7A  }
0x23: {  	s9 =	sor.u32 $0xD0000000, s2;
	s6 =	simm.s32 $0x108;
	_ =	swait.ge @!p0 [sflag:s8], $0x0  }
0x24: {  	s3 =	sadd.s32 $0x88, s3;
	s6 =	simm.s32 @!p1 $0x1082;
	[sflag:s4] =	ssyncset.s32 $0xFFFFF086  }
0x25: {  	[simem:s6], [sflag:s4] =	dma.local [hbm:s3], $0xF7A  }
0x26: {  	[smem:$0x3F97] =	sst s1;
	(tag) =	ssettag s2;
	_ =	strace s9  }
0x27: {  	s1 =	sld [smem:$0x3FA7]  }
0x28: {  	s2 =	sld [smem:$0x3FA8]  }
0x29: {  	s4 =	sld [smem:$0x3FAA]  }
0x2a: {  	p0 =	seq.s32 s5, $0x0;
	s5 =	sld [smem:$0x3FAB]  }
0x2b: {  	s6 =	sld [smem:$0x3FAC]  }
0x2c: {  	s7 =	sld [smem:$0x3FAD]  }
0x2d: {  	s3 =	simm.s32 $0x108;
	s8 =	sld [smem:$0x3FAE]  }
0x2e: {  	s3 =	simm.s32 @!p0 $0x1082;
	s9 =	sld [smem:$0x3FAF]  }
0x2f: {  	lr =	sadd.s32 s0, s3;
	s0 =	sld [smem:$0x3FA6]  }
0x30: {  	s3 =	sld [smem:$0x3FA9]  }
0x31: {  	[smem:$0x3FB2] =	sst s10  }
0x32: {  	s10 =	sld [smem:$0x3FB0];
	_ =	sdelay $0x3  }
0x33: {  	p0 =	seq.s32 s10, $0x1;
	s10 =	sld [smem:$0x3FB2];
	_ =	sdelay $0x3  }
0x34: {  	[smem:$0x3FB2] =	sst s10  }
0x35: {  	s10 =	sld [smem:$0x3FB1];
	_ =	sdelay $0x3  }
0x36: {  	p1 =	seq.s32 s10, $0x1;
	s10 =	sld [smem:$0x3FB2];
	_ =	sdelay $0x3  }
0x37: {  	[smem:$0x3FB2] =	sst s10  }
0x38: {  	s10 =	sld [smem:$0x3FB3]  }
0x39: {  	_ = 	snop;
	(pc) =	sbr.ind lr, $3  }
0x3a: {  	_ = 	snop  }
0x3b: {  	_ = 	snop  }
0x3c: {  	p2 =	seq.s32 s10, $0x1;
	s10 =	sld [smem:$0x3FB2]  }
0x3d: {  	_ =	shalt  }
0x3e: {  	_ =	shalt  }
0x3f: {  	_ =	shalt  }
0x40: {  	_ =	shalt  }
0x41: {  	_ =	shalt  }
0x42: {  	_ =	shalt  }
0x43: {  	_ =	shalt  }
0x44: {  	_ =	shalt  }
0x45: {  	_ =	shalt  }
0x46: {  	_ =	shalt  }
0x47: {  	_ =	shalt  }
0x48: {  	_ =	shalt  }
0x49: {  	_ =	shalt  }
0x4a: {  	_ =	shalt  }
0x4b: {  	_ =	shalt  }
0x4c: {  	_ =	shalt  }
0x4d: {  	_ =	shalt  }
0x4e: {  	_ =	shalt  }
0x4f: {  	_ =	shalt  }
0x50: {  	_ =	shalt  }
0x51: {  	_ =	shalt  }
0x52: {  	_ =	shalt  }
0x53: {  	_ =	shalt  }
0x54: {  	_ =	shalt  }
0x55: {  	_ =	shalt  }
0x56: {  	_ =	shalt  }
0x57: {  	_ =	shalt  }
0x58: {  	_ =	shalt  }
0x59: {  	_ =	shalt  }
0x5a: {  	_ =	shalt  }
0x5b: {  	_ =	shalt  }
0x5c: {  	_ =	shalt  }
0x5d: {  	_ =	shalt  }
0x5e: {  	_ =	shalt  }
0x5f: {  	_ =	shalt  }
0x60: {  	_ =	shalt  }
0x61: {  	_ =	shalt  }
0x62: {  	_ =	shalt  }
0x63: {  	_ =	shalt  }
0x64: {  	_ =	shalt  }
0x65: {  	_ =	shalt  }
0x66: {  	_ =	shalt  }
0x67: {  	_ =	shalt  }
0x68: {  	_ =	shalt  }
0x69: {  	_ =	shalt  }
0x6a: {  	_ =	shalt  }
0x6b: {  	_ =	shalt  }
0x6c: {  	_ =	shalt  }
0x6d: {  	_ =	shalt  }
0x6e: {  	_ =	shalt  }
0x6f: {  	_ =	shalt  }
0x70: {  	_ =	shalt  }
0x71: {  	_ =	shalt  }
0x72: {  	_ =	shalt  }
0x73: {  	_ =	shalt  }
0x74: {  	_ =	shalt  }
0x75: {  	_ =	shalt  }
0x76: {  	_ =	shalt  }
0x77: {  	_ =	shalt  }
0x78: {  	_ =	shalt  }
0x79: {  	_ =	shalt  }
0x7a: {  	_ =	shalt  }
0x7b: {  	_ =	shalt  }
0x7c: {  	_ =	shalt  }
0x7d: {  	_ =	shalt  }
0x7e: {  	_ =	shalt  }
0x7f: {  	_ =	shalt  }
0x80: {  	_ =	shalt  }
0x81: {  	_ =	shalt  }
0x82: {  	_ =	shalt  }
0x83: {  	_ =	shalt  }
0x84: {  	_ =	shalt  }
0x85: {  	_ =	shalt  }
0x86: {  	_ =	shalt  }
0x87: {  	_ =	shalt  }
.Lfunc_end0:
.L_simem_size_0:
called_computation.1_lowered:
.L_overlay_start_0:
0x88: {  	s2 =	sld [smem:$0x3FD9]  }
0x89: {  	s3 =	sld [smem:$0x3FFE];
	_ =	sdelay $0x1  }
0x8a: {  	s1 =	srdreg.scid  }
0x8b: {  	s0 =	sand.u32 $0x1, s1  }
0x8c: {  	s16 =	sshll.u32 s0, $0xA;
	s2 =	sadd.s32 s3, s2  }
0x8d: {  	s2 =	sadd.s32 s2, s16  }
0x8e: {  	[smem:$0x3FBE] =	sst s2  }
0x8f: {  	_ = 	snop  }
0x90: {  	(tm) =	ssettm $0x1  }
0x91: {  	s17 =	sld [smem:$0x3FFB];
	_ =	sdelay $0x3  }
0x92: {  	_ =	strace s17  }
0x93: {  	s2 =	sld [smem:$0x3FFC];
	_ =	sdelay $0x3  }
0x94: {  	_ =	strace s2  }
0x95: {  	s2 =	sld [smem:$0x3FFD];
	_ =	sdelay $0x3  }
0x96: {  	_ =	strace s2  }
0x97: {  	_ =	strace $0x8FFFFFFF  }
0x98: {  	s18 =	sld [smem:$0x3FDB];
	_ =	sdelay $0x1  }
0x99: {  	s19 =	simm.s32 $_scs_section_size  }
0x9a: {  	s4 =	simm.s32 $_size__tile_overlayer_lowered;
	s5 =	simm.s32 $_tile_overlayer_lowered  }
0x9b: {  	s22 =	simm.s32 $0x1BFF;
	s21 =	sshll.u32 s5, $0x1;
	s2 =	sadd.s32 s19, s18  }
0x9c: {  	s6 =	simm.s32 $0x0;
	s20 =	sshll.u32 s4, $0x1;
	s4 =	sadd.s32 s21, s2  }
0x9d: {  	[timem:s6], [sflag:s22] =	dma.local [hbm:s4], s20  }
0x9e: {  	_ =	swait.ge [sflag:s22], s20  }
0x9f: {  	s3 =	ssub.s32 $0x0, s20;
	[sflag:s22] =	ssyncset.done $0x0  }
0xa0: {  	[sflag:s22] =	ssyncadd.s32 s3;
	_ =	sdelay $0x1  }
0xa1: {  	s23 =	simm.s32 $0x1B8B  }
0xa2: {  	_ =	swait.ge [sflag:s23], $0x1  }
0xa3: {  	[sflag:s23] =	ssyncset.done $0x0  }
0xa4: {  	s25 =	simm.s32 $0x1B8E;
	s24 =	sld [smem:$0x3FFE];
	[sflag:s23] =	ssyncadd.s32 $0xFFFFFFFF  }
0xa5: {  	s26 =	simm.s32 $execute0_lowered;
	[smem:$0x3FD2] =	sst s25  }
0xa6: {  	s4 =	sshll.u32 s26, $0x1;
	_ =	strace $0x80000046;
	[dreg:$0x1] =	wrdreg $0xFFFFFFFF  }
0xa7: {  	s28 =	simm.s32 $_size_execute0_lowered;
	s2 =	sadd.s32 s2, s4;
	[dreg:$0x0] =	wrdreg $0x0  }
0xa8: {  	s4 =	sshll.u32 s28, $0x1;
	[dreg:$0x2] =	wrdreg s2  }
0xa9: {  	[dreg:$0x3] =	wrdreg s4  }
0xaa: {  	[dreg:$0x4] =	wrdreg $0xC0  }
0xab: {  	_ =	task [dreg:s6], $0x5FFFF  }
0xac: {  	[dreg:$0x1] =	wrdreg $0xFFFFFFFF  }
0xad: {  	[dreg:$0x0] =	wrdreg $0x60  }
0xae: {  	[dreg:$0x2] =	wrdreg s24  }
0xaf: {  	[dreg:$0x3] =	wrdreg $0x33A00  }
0xb0: {  	[dreg:$0x4] =	wrdreg $0xA  }
0xb1: {  	_ =	task.clear_ibuf [dreg:s6], $0x5FFFF;
	_ =	strace $0x90000046  }
0xb2: {  	s29 =	simm.s32 $0xA;
	_ =	strace $0x80000048  }
0xb3: {  	_ =	swait.ge [sflag:s29], $0x1  }
0xb4: {  	[sflag:s29] =	ssyncadd.s32 $0xFFFFFFFF  }
0xb5: {  	_ =	strace $0x90000048  }
0xb6: {  	_ =	sfence  }
0xb7: {  	s30 =	sld [smem:$0x0];
	_ =	sdelay $0x2  }
0xb8: {  	s31 =	sshll.u32 s1, $0xD;
	s1 =	sshrl.u32 s1, $0x2  }
0xb9: {  	s3 =	sand.u32 $0x4000, s31;
	s1 =	sadd.s32 s1, s30  }
0xba: {  	s0 =	sor.u32 s3, s0;
	s1 =	sshll.u32 s1, $0x11  }
0xbb: {  	s0 =	sor.u32 s1, s0  }
0xbc: {  	s0 =	sadd.s32 $0x8F2B, s0  }
0xbd: {  	[sflag:s0] =	ssyncadd.remote.s32 $0x1  }
0xbe: {  	_ =	sfence.sel $0xFFFF  }
0xbf: {  	[dreg:$0x0] =	wrdreg $0xFFFFFFFF;
	(pc) =	sbr.abs _section_cstart, $3  }
0xc0: {  	[dreg:$0x1] =	wrdreg $0xFFFFFFFF  }
0xc1: {  	_ =	task.clear_ibuf [dreg:s6], $0x2FFFF;
	_ =	strace $0x9FFFFFFF  }
0xc2: {  	(tm) =	ssettm $0x7FFFFFFF  }
0xc3: {  	_ =	shalt  }
tec
execute0_lowered:
.L_overlay_start_1:
0x0: {  	(tag) =	ssettag $0x1  }
0x1: {  	s4 =	rddreg [dreg:$0x0]  }
0x2: {  	s2 =	rddreg [dreg:$0x1]  }
0x3: {  	s0 =	rddreg [dreg:$0x2];
	s1 =	stileid.u32  }
0x4: {  	s3 =	simm.s32 $0x0;
	s6 =	srdreg.scid;
	s15 =	simm.s32 $0x20  }
0x5: {  	s16 =	simm.s32 $0x80;
	s17 =	simm.s32 $0x1400;
	s5 =	smul.u32 $0x27100, s1  }
0x6: {  	s18 =	simm.s32 $0x7D;
	s6 =	sand.u32 $0x1, s6;
	s8 =	smul.u32 $0x5000, s1  }
0x7: {  	s7 =	sshll.u32 s1, $0x1;
	[smem:$0x7FF] =	sst s3;
	s11 =	smul.u32 $0x14000, s1  }
0x8: {  	s19 =	sshll.u32 s1, $0x6;
	s7 =	sor.u32 s6, s7;
	s9 =	smul.u32 $0x50000, s6  }
0x9: {  	_ =	strace $0x80000047;
	s24 =	ssub.s32 $0x2, s6;
	s30 =	smul.u32 $0x13880, s6  }
0xa: {  	s19 =	sor.u32 $0x1C01, s19;
	s10 =	sadd.s32 s5, s4;
	s22 =	smul.u32 $0x280, s7  }
0xb: {  	s26 =	sshrl.u32 s24, $0x1;
	s28 =	sshrl.u32 s11, $0x2;
	s23 =	sadd.s32 s8, s9  }
0xc: {  	s14 =	ssub.s32 s24, s26;
	s29 =	sadd.s32 s28, s2;
	s31 =	sadd.s32 s30, s10  }
0xd: {  	s12 =	sadd.s32 s22, s4;
	s25 =	sshrl.u32 s23, $0x3;
	s5 =	sadd.s32 $0x1000, s29  }
0xe: {  	s6 =	sadd.s32 $0x2000, s29;
	s7 =	sadd.s32 $0x3000, s29;
	s11 =	smax.u32 s14, $0x1  }
0xf: {  	s14 =	simm.s32 $0x1;
	s13 =	sadd.s32 s25, s4;
	s4 =	sadd.s32 s8, s2  }
0x10: {  	s8 =	sadd.s32 $0x4000, s29;
	s9 =	sadd.s32 $0x6E00, s12;
	s12 =	sadd.s32 $0xBE00, s31  }
0x11: {  	v0 =	vimm.f32 $0.0e+00;
	s10 =	sadd.s32 $0x27CE00, s13;
	s13 =	simm.s32 $0x23A0;
	s20 =	sshrl.u32 s4, $0x3  }
.LBB2_1:
0x12: {  	s21 =	simm.s32 $0x80;
	s22 =	simm.s32 $0x0  }
.LBB2_2:
0x13: {  	p0 =	sne.s32 s21, $0x3F80;
	[tilespmem:s22+$0x23A0] =	vst v0;
	s23 =	smov.u32 s21;
	s21 =	sadd.s32 $0x80, s21  }
.Ltmp0:
0x14: {  	[tilespmem:s22+$0x23B0] =	vst v0;
	(pc) =	sbr.rel @p0 .LBB2_2-.Ltmp0, $2  }
0x15: {  	_ =	sdelay $0x2  }
0x16: {  	s22 =	sshra.s32 s23, $0x2  }
0x17: {  	[tilespmem:s22+$0x23A0] =	vst v0  }
0x18: {  	[tilespmem:s22+$0x23B0] =	vst v0  }
0x19: {  	[spmem:s4] =	stream.linear.scatter [tilespmem:s13], [sflag:$0x1], $0x1000, $0x38;
	[tilespmem:$0x83A0] =	vst v63  }
0x1a: {  	_ =	swait.ge [sflag:s14], $0x1000  }
0x1b: {  	[sflag:s14] =	ssyncset.done $0x0  }
0x1c: {  	[sflag:s14] =	ssyncadd.s32 $0xFFFFF000  }
0x1d: {  	[spmem:s5] =	stream.linear.scatter [tilespmem:s13], [sflag:$0x1], $0x1000, $0x38;
	[tilespmem:$0x83A0] =	vst v63  }
0x1e: {  	_ =	swait.ge [sflag:s14], $0x1000  }
0x1f: {  	[sflag:s14] =	ssyncset.done $0x0  }
0x20: {  	[sflag:s14] =	ssyncadd.s32 $0xFFFFF000  }
0x21: {  	[spmem:s6] =	stream.linear.scatter [tilespmem:s13], [sflag:$0x1], $0x1000, $0x38;
	[tilespmem:$0x83A0] =	vst v63  }
0x22: {  	_ =	swait.ge [sflag:s14], $0x1000  }
0x23: {  	[sflag:s14] =	ssyncset.done $0x0  }
0x24: {  	[sflag:s14] =	ssyncadd.s32 $0xFFFFF000  }
0x25: {  	[spmem:s7] =	stream.linear.scatter [tilespmem:s13], [sflag:$0x1], $0x1000, $0x38;
	[tilespmem:$0x83A0] =	vst v63  }
0x26: {  	_ =	swait.ge [sflag:s14], $0x1000  }
0x27: {  	[sflag:s14] =	ssyncset.done $0x0  }
0x28: {  	[sflag:s14] =	ssyncadd.s32 $0xFFFFF000  }
0x29: {  	[spmem:s8] =	stream.linear.scatter [tilespmem:s13], [sflag:$0x1], $0x1000, $0x38;
	[tilespmem:$0x83A0] =	vst v63  }
0x2a: {  	_ =	swait.ge [sflag:s14], $0x1000  }
0x2b: {  	[sflag:s14] =	ssyncset.done $0x0  }
0x2c: {  	[sflag:s14] =	ssyncadd.s32 $0xFFFFF000  }
0x2d: {  	s21 =	simm.s32 $0x0;
	[bflag:$0x0] =	sbarrier.arrive $0xFFFF  }
0x2e: {  	[tilespmem:s21], [sflag:$0x1] =	stream.linear.gather [hbm4b:s9+s21], $0x1400, $0x38;
	[tilespmem:$0x83A0] =	vst v63  }
0x2f: {  	_ =	swait.ge [sflag:s14], $0x1400  }
0x30: {  	[sflag:s14] =	ssyncset.done $0x0  }
0x31: {  	[sflag:s14] =	ssyncadd.s32 $0xFFFFEC00  }
0x32: {  	[tilespmem:s17], [sflag:$0x1] =	stream.strided.gather [hbm4b:s12+s15], $0xFA0, s16, s15, $0x38;
	[tilespmem:$0x83A0] =	vst v63  }
0x33: {  	_ =	swait.ge [sflag:s14], $0xFA0  }
0x34: {  	[sflag:s14] =	ssyncset.done $0x0  }
0x35: {  	s31 =	simm.s32 $0x0;
	[sflag:s14] =	ssyncadd.s32 $0xFFFFF060  }
0x36: {  	[spmem:s2] =	stream.indirect.scatter.add.f32 [tilespmem:s17], [sflag:$0x1], $0x20, s31, s18, $0xb8;
	[tilespmem:$0x83A0] =	vst v63  }
0x37: {  	_ =	swait.ge [sflag:s14], $0xFA0  }
0x38: {  	s22 =	smov.u32 s12;
	s21 =	simm.s32 $0x200;
	[sflag:s14] =	ssyncset.done $0x0  }
.LBB2_4:
0x39: {  	p0 =	sne.s32 s21, $0x4E00;
	[sflag:s14] =	ssyncadd.s32 $0xFFFFF060;
	s22 =	sadd.s32 $0x7D0, s22  }
0x3a: {  	[tilespmem:s17], [sflag:$0x1] =	stream.strided.gather [hbm4b:s22+s15], $0xFA0, s16, s15, $0x38;
	[tilespmem:$0x83A0] =	vst v63  }
0x3b: {  	s23 =	smov.u32 s21;
	s21 =	sadd.s32 $0x200, s21;
	_ =	swait.ge [sflag:s14], $0xFA0  }
.Ltmp1:
0x3c: {  	[sflag:s14] =	ssyncset.done $0x0;
	(pc) =	sbr.rel @p0 .LBB2_4-.Ltmp1, $4  }
0x3d: {  	s23 =	sshra.s32 s23, $0x2;
	[sflag:s14] =	ssyncadd.s32 $0xFFFFF060  }
0x3e: {  	[spmem:s2] =	stream.indirect.scatter.add.f32 [tilespmem:s17], [sflag:$0x1], $0x20, s23, s18, $0xb8;
	[tilespmem:$0x83A0] =	vst v63  }
0x3f: {  	_ =	swait.ge [sflag:s14], $0xFA0  }
0x40: {  	[sflag:s14] =	ssyncset.done $0x0  }
0x41: {  	s3 =	sadd.s32 $0x1, s3  }
0x42: {  	[sflag:s14] =	ssyncadd.s32 $0xFFFFF060;
	p0 =	sne.s32 s3, s11  }
.Ltmp2:
0x43: {  	[bflag:$0x0] =	sbarrier.arrive $0xFFFF;
	(pc) =	sbr.rel @p0 .LBB2_1-.Ltmp2, $4  }
0x44: {  	[hbm:s10], [sflag:s19] =	dma.local [spmem:s20], $0xA00  }
0x45: {  	_ =	swait.ge [sflag:s14], $0xA00  }
0x46: {  	[sflag:s14] =	ssyncset.done $0x0  }
0x47: {  	[sflag:s14] =	ssyncadd.s32 $0xFFFFF600  }
0x48: {  	_ =	sfence.sel $0x180000  }
0x49: {  	[bflag:$0x0] =	sbarrier.arrive $0xFFFF  }
0x4a: {  	p0 =	sne.s32 s1, $0x0;
	_ =	strace $0x90000047  }
0x4b: {  	s0 =	sadd.s32 @!p0 $0x100000, s0;
	[bflag:$0x2] =	sbarrier.arrive $0xFFFF  }
0x4c: {  	[sflag:s0] =	ssyncadd.tile.s32 @!p0 $0x1;
	_ =	shalt  }
.Lfunc_end2:
_tile_overlayer_lowered:
.L_overlay_start_2:
0x4d: {  	(tag) =	ssettag $0x2  }
0x4e: {  	s0 =	rddreg [dreg:$0x0];
	s2 =	stileid.u32  }
0x4f: {  	s1 =	rddreg [dreg:$0x1];
	p0 =	sne.s32 s2, $0x0  }
0x50: {  	s3 =	rddreg [dreg:$0x2];
	[bflag:$0x3] =	sbarrier.arrive $0xFFFF;
	s2 =	simm.s32 @!p0 $0x1C01  }
0x51: {  	[timem:s3], [sflag:s2] =	dma.local @!p0 [hbm:s0], s1  }
0x52: {  	s0 =	simm.s32 @!p0 $0x1  }
0x53: {  	_ =	swait.ge @!p0 [sflag:s0], s1  }
0x54: {  	s1 =	ssub.s32 @!p0 $0x0, s1;
	[sflag:s0] =	ssyncset.done @!p0 $0x0  }
0x55: {  	[sflag:s0] =	ssyncadd.s32 @!p0 s1  }
0x56: {  	[bflag:$0x3] =	sbarrier.arrive $0xFFFF  }
0x57: {  	_ =	shalt  }

// kernel: kernel.7.cloned.1.call-start
scs
__scs_entry_jumppad:
0x0: {  	(pc) =	sbr.rel $0x88, $3  }
0x1: {  	(tag) =	ssettag $0x0;
	lr =	simm.s32 $0x1  }
0x2: {  	[smem:$0x3F97] =	sst lr;
	_ =	strace $0xD0000000  }
0x3: {  	_ = 	snop  }
0x4: {  	_ = 	snop  }
0x5: {  	_ = 	snop  }
0x6: {  	_ = 	snop  }
0x7: {  	_ = 	snop  }
__scs_overlays_trampoline_lowered:
0x8: {  	[smem:$0x3FA6] =	sst s0  }
0x9: {  	[smem:$0x3FA7] =	sst s1  }
0xa: {  	[smem:$0x3FA8] =	sst s2  }
0xb: {  	[smem:$0x3FA9] =	sst s3  }
0xc: {  	[smem:$0x3FAA] =	sst s4  }
0xd: {  	[smem:$0x3FAB] =	sst s5  }
0xe: {  	[smem:$0x3FAC] =	sst s6  }
0xf: {  	[smem:$0x3FAD] =	sst s7  }
0x10: {  	[smem:$0x3FAE] =	sst s8  }
0x11: {  	[smem:$0x3FAF] =	sst s9;
	s0 =	simm.s32 @!p0 $0x0  }
0x12: {  	s1 =	sld [smem:$0x3F95];
	s0 =	simm.s32 @p0 $0x1  }
0x13: {  	[smem:$0x3FB0] =	sst s0;
	s0 =	simm.s32 @!p1 $0x0  }
0x14: {  	s2 =	sld [smem:$0x3F94];
	s0 =	simm.s32 @p1 $0x1  }
0x15: {  	[smem:$0x3FB1] =	sst s0;
	s0 =	simm.s32 @!p2 $0x0  }
0x16: {  	s3 =	sld [smem:$0x3FDB];
	s0 =	simm.s32 @p2 $0x1  }
0x17: {  	s4 =	simm.s32 $0x1BF5;
	[smem:$0x3FB3] =	sst s0  }
0x18: {  	s0 =	sld [smem:$0x3F96];
	_ =	swait.ge [sflag:s4], $0x0  }
0x19: {  	s7 =	sld [smem:$0x3F97]  }
0x1a: {  	s8 =	sadd.s32 $0xFFFFE003, lr  }
0x1b: {  	s9 =	sadd.s32 $0xFFFFFEF7, lr;
	s5 =	simm.s32 $0xFFFFFFFF;
	p2 =	slt.u32 s8, $0xFFFFF086  }
0x1c: {  	p1 =	slt.u32 s9, $0xF7A;
	s5 =	simm.s32 @!p2 $0x0  }
0x1d: {  	s5 =	simm.s32 @p1 $0x1;
	p0 =	seq.s32 s7, s2  }
0x1e: {  	s7 =	smul.u32 @!p0 $0xF7A, s2;
	p2 =	seq.s32 @!p0 s5, $0x0  }
0x1f: {  	s9 =	smul.u32 $0xF7A, s1;
	s8 =	simm.s32 @!p0 $0x1BF5;
	p2 =	por !p2, p0  }
0x20: {  	[sflag:s8] =	ssyncset.s32 @!p0 $0xFFFFF086;
	s6 =	sadd.s32 @!p0 s3, s7;
	s7 =	simm.s32 @!p0 $0x108  }
0x21: {  	s3 =	sadd.s32 s3, s9;
	s6 =	sadd.s32 @!p0 $0x88, s6;
	s7 =	simm.s32 @p2 $0x1082  }
0x22: {  	[simem:s7], [sflag:s8] =	dma.local @!p0 [hbm:s6], $0xF7A  }
0x23: {  	s9 =	sor.u32 $0xD0000000, s2;
	s6 =	simm.s32 $0x108;
	_ =	swait.ge @!p0 [sflag:s8], $0x0  }
0x24: {  	s3 =	sadd.s32 $0x88, s3;
	s6 =	simm.s32 @!p1 $0x1082;
	[sflag:s4] =	ssyncset.s32 $0xFFFFF086  }
0x25: {  	[simem:s6], [sflag:s4] =	dma.local [hbm:s3], $0xF7A  }
0x26: {  	[smem:$0x3F97] =	sst s1;
	(tag) =	ssettag s2;
	_ =	strace s9  }
0x27: {  	s1 =	sld [smem:$0x3FA7]  }
0x28: {  	s2 =	sld [smem:$0x3FA8]  }
0x29: {  	s4 =	sld [smem:$0x3FAA]  }
0x2a: {  	p0 =	seq.s32 s5, $0x0;
	s5 =	sld [smem:$0x3FAB]  }
0x2b: {  	s6 =	sld [smem:$0x3FAC]  }
0x2c: {  	s7 =	sld [smem:$0x3FAD]  }
0x2d: {  	s3 =	simm.s32 $0x108;
	s8 =	sld [smem:$0x3FAE]  }
0x2e: {  	s3 =	simm.s32 @!p0 $0x1082;
	s9 =	sld [smem:$0x3FAF]  }
0x2f: {  	lr =	sadd.s32 s0, s3;
	s0 =	sld [smem:$0x3FA6]  }
0x30: {  	s3 =	sld [smem:$0x3FA9]  }
0x31: {  	[smem:$0x3FB2] =	sst s10  }
0x32: {  	s10 =	sld [smem:$0x3FB0];
	_ =	sdelay $0x3  }
0x33: {  	p0 =	seq.s32 s10, $0x1;
	s10 =	sld [smem:$0x3FB2];
	_ =	sdelay $0x3  }
0x34: {  	[smem:$0x3FB2] =	sst s10  }
0x35: {  	s10 =	sld [smem:$0x3FB1];
	_ =	sdelay $0x3  }
0x36: {  	p1 =	seq.s32 s10, $0x1;
	s10 =	sld [smem:$0x3FB2];
	_ =	sdelay $0x3  }
0x37: {  	[smem:$0x3FB2] =	sst s10  }
0x38: {  	s10 =	sld [smem:$0x3FB3]  }
0x39: {  	_ = 	snop;
	(pc) =	sbr.ind lr, $3  }
0x3a: {  	_ = 	snop  }
0x3b: {  	_ = 	snop  }
0x3c: {  	p2 =	seq.s32 s10, $0x1;
	s10 =	sld [smem:$0x3FB2]  }
0x3d: {  	_ =	shalt  }
0x3e: {  	_ =	shalt  }
0x3f: {  	_ =	shalt  }
0x40: {  	_ =	shalt  }
0x41: {  	_ =	shalt  }
0x42: {  	_ =	shalt  }
0x43: {  	_ =	shalt  }
0x44: {  	_ =	shalt  }
0x45: {  	_ =	shalt  }
0x46: {  	_ =	shalt  }
0x47: {  	_ =	shalt  }
0x48: {  	_ =	shalt  }
0x49: {  	_ =	shalt  }
0x4a: {  	_ =	shalt  }
0x4b: {  	_ =	shalt  }
0x4c: {  	_ =	shalt  }
0x4d: {  	_ =	shalt  }
0x4e: {  	_ =	shalt  }
0x4f: {  	_ =	shalt  }
0x50: {  	_ =	shalt  }
0x51: {  	_ =	shalt  }
0x52: {  	_ =	shalt  }
0x53: {  	_ =	shalt  }
0x54: {  	_ =	shalt  }
0x55: {  	_ =	shalt  }
0x56: {  	_ =	shalt  }
0x57: {  	_ =	shalt  }
0x58: {  	_ =	shalt  }
0x59: {  	_ =	shalt  }
0x5a: {  	_ =	shalt  }
0x5b: {  	_ =	shalt  }
0x5c: {  	_ =	shalt  }
0x5d: {  	_ =	shalt  }
0x5e: {  	_ =	shalt  }
0x5f: {  	_ =	shalt  }
0x60: {  	_ =	shalt  }
0x61: {  	_ =	shalt  }
0x62: {  	_ =	shalt  }
0x63: {  	_ =	shalt  }
0x64: {  	_ =	shalt  }
0x65: {  	_ =	shalt  }
0x66: {  	_ =	shalt  }
0x67: {  	_ =	shalt  }
0x68: {  	_ =	shalt  }
0x69: {  	_ =	shalt  }
0x6a: {  	_ =	shalt  }
0x6b: {  	_ =	shalt  }
0x6c: {  	_ =	shalt  }
0x6d: {  	_ =	shalt  }
0x6e: {  	_ =	shalt  }
0x6f: {  	_ =	shalt  }
0x70: {  	_ =	shalt  }
0x71: {  	_ =	shalt  }
0x72: {  	_ =	shalt  }
0x73: {  	_ =	shalt  }
0x74: {  	_ =	shalt  }
0x75: {  	_ =	shalt  }
0x76: {  	_ =	shalt  }
0x77: {  	_ =	shalt  }
0x78: {  	_ =	shalt  }
0x79: {  	_ =	shalt  }
0x7a: {  	_ =	shalt  }
0x7b: {  	_ =	shalt  }
0x7c: {  	_ =	shalt  }
0x7d: {  	_ =	shalt  }
0x7e: {  	_ =	shalt  }
0x7f: {  	_ =	shalt  }
0x80: {  	_ =	shalt  }
0x81: {  	_ =	shalt  }
0x82: {  	_ =	shalt  }
0x83: {  	_ =	shalt  }
0x84: {  	_ =	shalt  }
0x85: {  	_ =	shalt  }
0x86: {  	_ =	shalt  }
0x87: {  	_ =	shalt  }
.Lfunc_end0:
.L_simem_size_0:
called_computation_lowered:
.L_overlay_start_0:
0x88: {  	s2 =	sld [smem:$0x3FD9]  }
0x89: {  	s3 =	sld [smem:$0x3FFE];
	_ =	sdelay $0x1  }
0x8a: {  	s1 =	srdreg.scid  }
0x8b: {  	s0 =	sand.u32 $0x1, s1  }
0x8c: {  	s17 =	sshll.u32 s0, $0xA;
	s2 =	sadd.s32 s3, s2  }
0x8d: {  	s2 =	sadd.s32 s2, s17  }
0x8e: {  	[smem:$0x3FBE] =	sst s2  }
0x8f: {  	_ = 	snop  }
0x90: {  	s18 =	sld [smem:$0x3FD0];
	(tm) =	ssettm $0x1  }
0x91: {  	s19 =	sld [smem:$0x3FFB];
	_ =	sdelay $0x3  }
0x92: {  	_ =	strace s19  }
0x93: {  	s2 =	sld [smem:$0x3FFC];
	_ =	sdelay $0x3  }
0x94: {  	_ =	strace s2  }
0x95: {  	s2 =	sld [smem:$0x3FFD];
	_ =	sdelay $0x3  }
0x96: {  	_ =	strace s2  }
0x97: {  	_ =	strace $0x8FFFFFFF  }
0x98: {  	s20 =	sld [smem:$0x3FDB];
	_ =	sdelay $0x1  }
0x99: {  	s4 =	simm.s32 $_scs_section_size  }
0x9a: {  	s5 =	simm.s32 $_size__tile_overlayer_lowered;
	s6 =	simm.s32 $_tile_overlayer_lowered  }
0x9b: {  	s7 =	simm.s32 $0x1BFF;
	s21 =	sshll.u32 s6, $0x1;
	s4 =	sadd.s32 s4, s20  }
0x9c: {  	s22 =	simm.s32 $0x0;
	s5 =	sshll.u32 s5, $0x1;
	s6 =	sadd.s32 s21, s4  }
0x9d: {  	[timem:s22], [sflag:s7] =	dma.local [hbm:s6], s5  }
0x9e: {  	_ =	swait.ge [sflag:s7], s5  }
0x9f: {  	s5 =	ssub.s32 $0x0, s5;
	[sflag:s7] =	ssyncset.done $0x0  }
0xa0: {  	[sflag:s7] =	ssyncadd.s32 s5;
	_ =	sdelay $0x1  }
0xa1: {  	s23 =	simm.s32 $0x1B8B  }
0xa2: {  	_ =	swait.ge [sflag:s23], $0x1  }
0xa3: {  	[sflag:s23] =	ssyncset.done $0x0  }
0xa4: {  	[sflag:s23] =	ssyncadd.s32 $0xFFFFFFFF  }
0xa5: {  	s5 =	sld [smem:$0x0]  }
0xa6: {  	s6 =	sand.u32 $0xFFFFFFFE, s1  }
0xa7: {  	p0 =	sne.s32 s1, s6  }
0xa8: {  	s6 =	sshll.u32 @p0 s6, $0xE  }
0xa9: {  	s6 =	sadd.s32 @p0 $0x11B8D, s6;
	s7 =	sshll.u32 @p0 s5, $0x11  }
0xaa: {  	s6 =	sor.u32 @p0 s7, s6  }
0xab: {  	[sflag:s6] =	ssyncadd.remote.s32 @p0 $0x1;
	_ =	sdelay $0x1  }
0xac: {  	s6 =	simm.s32 @p0 $0x1B8D  }
0xad: {  	_ =	swait.eq @p0 [sflag:s6], $0x1  }
0xae: {  	[sflag:s6] =	ssyncadd.s32 @p0 $0xFFFFFFFF  }
0xaf: {  	s7 =	sshll.u32 @!p0 s1, $0xE  }
0xb0: {  	s7 =	sor.u32 @!p0 $0x4000, s7;
	s6 =	simm.s32 @!p0 $0x1B8D  }
0xb1: {  	s5 =	sshll.u32 @!p0 s5, $0x11;
	s7 =	sadd.s32 @!p0 $0x11B8D, s7;
	_ =	swait.eq @!p0 [sflag:s6], $0x1  }
0xb2: {  	s5 =	sor.u32 @!p0 s5, s7;
	[sflag:s6] =	ssyncadd.s32 @!p0 $0xFFFFFFFF  }
0xb3: {  	s25 =	simm.s32 $0x1B8E;
	s24 =	sld [smem:$0x3FFE];
	[sflag:s5] =	ssyncadd.remote.s32 @!p0 $0x1  }
0xb4: {  	s26 =	simm.s32 $execute0_lowered;
	[smem:$0x3FD2] =	sst s25  }
0xb5: {  	s6 =	sshll.u32 s26, $0x1;
	_ =	strace $0x80000049;
	[dreg:$0x1] =	wrdreg $0xFFFFFFFF  }
0xb6: {  	s28 =	simm.s32 $_size_execute0_lowered;
	s4 =	sadd.s32 s4, s6;
	[dreg:$0x0] =	wrdreg $0x0  }
0xb7: {  	s6 =	sshll.u32 s28, $0x1;
	[dreg:$0x2] =	wrdreg s4  }
0xb8: {  	[dreg:$0x3] =	wrdreg s6  }
0xb9: {  	[dreg:$0x4] =	wrdreg $0xC0  }
0xba: {  	_ =	task [dreg:s22], $0x5FFFF  }
0xbb: {  	[dreg:$0x1] =	wrdreg $0xFFFFFFFF  }
0xbc: {  	[dreg:$0x0] =	wrdreg $0x60  }
0xbd: {  	[dreg:$0x2] =	wrdreg s18  }
0xbe: {  	[dreg:$0x3] =	wrdreg s24  }
0xbf: {  	[dreg:$0x4] =	wrdreg $0xA8000  }
0xc0: {  	[dreg:$0x5] =	wrdreg $0x9  }
0xc1: {  	_ =	task.clear_ibuf [dreg:s22], $0x6FFFF;
	_ =	strace $0x90000049  }
0xc2: {  	s29 =	simm.s32 $0x9;
	_ =	strace $0x8000004B  }
0xc3: {  	_ =	swait.ge [sflag:s29], $0x1  }
0xc4: {  	[sflag:s29] =	ssyncadd.s32 $0xFFFFFFFF  }
0xc5: {  	_ =	strace $0x9000004B  }
0xc6: {  	_ =	sfence  }
0xc7: {  	s30 =	sld [smem:$0x0];
	_ =	sdelay $0x2  }
0xc8: {  	s31 =	sshll.u32 s1, $0xD;
	s1 =	sshrl.u32 s1, $0x2  }
0xc9: {  	s4 =	sand.u32 $0x4000, s31;
	s1 =	sadd.s32 s1, s30  }
0xca: {  	s0 =	sor.u32 s4, s0;
	s1 =	sshll.u32 s1, $0x11  }
0xcb: {  	s0 =	sor.u32 s1, s0  }
0xcc: {  	s0 =	sadd.s32 $0x8F2B, s0  }
0xcd: {  	[sflag:s0] =	ssyncadd.remote.s32 $0x1  }
0xce: {  	_ =	sfence.sel $0xFFFF  }
0xcf: {  	[dreg:$0x0] =	wrdreg $0xFFFFFFFF;
	(pc) =	sbr.abs _section_cstart, $3  }
0xd0: {  	[dreg:$0x1] =	wrdreg $0xFFFFFFFF  }
0xd1: {  	_ =	task.clear_ibuf [dreg:s22], $0x2FFFF;
	_ =	strace $0x9FFFFFFF  }
0xd2: {  	(tm) =	ssettm $0x7FFFFFFF  }
0xd3: {  	_ =	shalt  }
tec
execute0_lowered:
.L_overlay_start_1:
0x0: {  	(tag) =	ssettag $0x1  }
0x1: {  	s2 =	rddreg [dreg:$0x0]  }
0x2: {  	s1 =	srdreg.scid;
	s6 =	rddreg [dreg:$0x1]  }
0x3: {  	s0 =	stileid.u32;
	s3 =	rddreg [dreg:$0x2]  }
0x4: {  	s4 =	simm.s32 $0x0;
	s14 =	simm.s32 $0x6800;
	s15 =	simm.s32 $0x1  }
0x5: {  	s16 =	simm.s32 $0x1400;
	s17 =	simm.s32 $0x7D;
	s18 =	simm.s32 $0x2800  }
0x6: {  	s5 =	sand.u32 $0x1, s1;
	s26 =	sshll.u32 s0, $0x1;
	s9 =	smul.u32 $0x14000, s0  }
0x7: {  	[smem:$0x7FF] =	sst s4;
	s10 =	smul.u32 $0x50000, s0;
	s19 =	sshll.u32 s0, $0x6  }
0x8: {  	s1 =	sor.u32 s5, s26;
	s8 =	smul.u32 $0x140000, s5;
	s29 =	ssub.s32 $0x2, s5  }
0x9: {  	s19 =	sor.u32 $0x1C01, s19;
	s7 =	smul.u32 $0x280, s1;
	s1 =	rddreg [dreg:$0x3]  }
0xa: {  	_ =	strace $0x8000004A;
	s30 =	sshrl.u32 s10, $0x2;
	s31 =	sshrl.u32 s29, $0x1  }
0xb: {  	s28 =	sadd.s32 s9, s8;
	s5 =	sadd.s32 s30, s3;
	s13 =	ssub.s32 s29, s31  }
0xc: {  	s11 =	sadd.s32 s7, s6;
	s7 =	sshrl.u32 s28, $0x3;
	s8 =	sadd.s32 $0xC000, s5  }
0xd: {  	s10 =	sadd.s32 $0x10000, s5;
	s13 =	smax.u32 s13, $0x1;
	s20 =	sshrl.u32 s5, $0x3  }
0xe: {  	s12 =	sadd.s32 s7, s6;
	s6 =	sadd.s32 $0x4000, s5;
	s9 =	sadd.s32 $0x290E00, s11  }
0xf: {  	v0 =	vimm.f32 $0.0e+00;
	s7 =	sadd.s32 $0x8000, s5;
	s11 =	sadd.s32 $0x1E00, s11;
	s12 =	sadd.s32 $0x295E00, s12  }
.LBB2_1:
0x10: {  	s21 =	simm.s32 $0x0;
	s22 =	simm.s32 $0x200  }
.LBB2_2:
0x11: {  	p0 =	sne.s32 s22, $0xFE00;
	[tilespmem:s21+$0x6870] =	vst v0  }
0x12: {  	[tilespmem:s21+$0x6800] =	vst v0  }
0x13: {  	[tilespmem:s21+$0x6810] =	vst v0  }
.Ltmp0:
0x14: {  	[tilespmem:s21+$0x6820] =	vst v0;
	(pc) =	sbr.rel @p0 .LBB2_2-.Ltmp0, $4  }
0x15: {  	[tilespmem:s21+$0x6830] =	vst v0  }
0x16: {  	[tilespmem:s21+$0x6840] =	vst v0  }
0x17: {  	[tilespmem:s21+$0x6850] =	vst v0  }
0x18: {  	[tilespmem:s21+$0x6860] =	vst v0;
	s21 =	sshra.s32 s22, $0x2;
	s22 =	sadd.s32 $0x200, s22  }
0x19: {  	[tilespmem:s21+$0x6870] =	vst v0  }
0x1a: {  	[tilespmem:s21+$0x6800] =	vst v0  }
0x1b: {  	[tilespmem:s21+$0x6810] =	vst v0  }
0x1c: {  	[tilespmem:s21+$0x6820] =	vst v0  }
0x1d: {  	[tilespmem:s21+$0x6830] =	vst v0  }
0x1e: {  	[tilespmem:s21+$0x6840] =	vst v0  }
0x1f: {  	[tilespmem:s21+$0x6850] =	vst v0  }
0x20: {  	[tilespmem:s21+$0x6860] =	vst v0  }
0x21: {  	[spmem:s5] =	stream.linear.scatter [tilespmem:s14], [sflag:$0x1], $0x4000, $0x38;
	[tilespmem:$0x1E800] =	vst v63  }
0x22: {  	_ =	swait.ge [sflag:s15], $0x4000  }
0x23: {  	[sflag:s15] =	ssyncset.done $0x0  }
0x24: {  	[sflag:s15] =	ssyncadd.s32 $0xFFFFC000  }
0x25: {  	[spmem:s6] =	stream.linear.scatter [tilespmem:s14], [sflag:$0x1], $0x4000, $0x38;
	[tilespmem:$0x1E800] =	vst v63  }
0x26: {  	_ =	swait.ge [sflag:s15], $0x4000  }
0x27: {  	[sflag:s15] =	ssyncset.done $0x0  }
0x28: {  	[sflag:s15] =	ssyncadd.s32 $0xFFFFC000  }
0x29: {  	[spmem:s7] =	stream.linear.scatter [tilespmem:s14], [sflag:$0x1], $0x4000, $0x38;
	[tilespmem:$0x1E800] =	vst v63  }
0x2a: {  	_ =	swait.ge [sflag:s15], $0x4000  }
0x2b: {  	[sflag:s15] =	ssyncset.done $0x0  }
0x2c: {  	[sflag:s15] =	ssyncadd.s32 $0xFFFFC000  }
0x2d: {  	[spmem:s8] =	stream.linear.scatter [tilespmem:s14], [sflag:$0x1], $0x4000, $0x38;
	[tilespmem:$0x1E800] =	vst v63  }
0x2e: {  	_ =	swait.ge [sflag:s15], $0x4000  }
0x2f: {  	[sflag:s15] =	ssyncset.done $0x0  }
0x30: {  	[sflag:s15] =	ssyncadd.s32 $0xFFFFC000  }
0x31: {  	[spmem:s10] =	stream.linear.scatter [tilespmem:s14], [sflag:$0x1], $0x4000, $0x38;
	[tilespmem:$0x1E800] =	vst v63  }
0x32: {  	_ =	swait.ge [sflag:s15], $0x4000  }
0x33: {  	[sflag:s15] =	ssyncset.done $0x0  }
0x34: {  	[sflag:s15] =	ssyncadd.s32 $0xFFFFC000  }
0x35: {  	s29 =	simm.s32 $0x0;
	[bflag:$0x0] =	sbarrier.arrive $0xFFFF  }
0x36: {  	[tilespmem:s29], [sflag:$0x1] =	stream.linear.gather [hbm4b:s9+s29], $0x1400, $0x38;
	[tilespmem:$0x1E800] =	vst v63  }
0x37: {  	_ =	swait.ge [sflag:s15], $0x1400  }
0x38: {  	[sflag:s15] =	ssyncset.done $0x0  }
0x39: {  	[sflag:s15] =	ssyncadd.s32 $0xFFFFEC00  }
0x3a: {  	[tilespmem:s16], [sflag:$0x1] =	stream.linear.gather [hbm4b:s11+s29], $0x1400, $0x38;
	[tilespmem:$0x1E800] =	vst v63  }
0x3b: {  	_ =	swait.ge [sflag:s15], $0x1400  }
0x3c: {  	[sflag:s15] =	ssyncset.done $0x0  }
0x3d: {  	s30 =	simm.s32 $0x0;
	[sflag:s15] =	ssyncadd.s32 $0xFFFFEC00  }
0x3e: {  	[tilespmem:s18], [sflag:$0x1] =	stream.indirect.gather [hbm4b:s2+s17], $0x80, s30, s17, $0xb8;
	[tilespmem:$0x1E800] =	vst v63  }
0x3f: {  	_ =	swait.ge [sflag:s15], $0x3E80  }
0x40: {  	[sflag:s15] =	ssyncset.done $0x0  }
0x41: {  	s31 =	simm.s32 $0x1400;
	[sflag:s15] =	ssyncadd.s32 $0xFFFFC180  }
0x42: {  	[spmem:s3] =	stream.indirect.scatter.add.f32 [tilespmem:s18], [sflag:$0x1], $0x80, s31, s17, $0xb8;
	[tilespmem:$0x1E800] =	vst v63  }
0x43: {  	_ =	swait.ge [sflag:s15], $0x3E80  }
0x44: {  	s21 =	simm.s32 $0x200;
	s22 =	simm.s32 $0x400;
	[sflag:s15] =	ssyncset.done $0x0  }
.LBB2_4:
0x45: {  	s23 =	sshra.s32 s21, $0x2  }
0x46: {  	[sflag:s15] =	ssyncadd.s32 $0xFFFFC180;
	s21 =	smov.u32 s22;
	s24 =	sadd.s32 $0x200, s22  }
0x47: {  	[tilespmem:s18], [sflag:$0x1] =	stream.indirect.gather [hbm4b:s2+s17], $0x80, s23, s17, $0xb8;
	[tilespmem:$0x1E800] =	vst v63  }
0x48: {  	p0 =	sne.s32 s22, $0x4E00;
	_ =	swait.ge [sflag:s15], $0x3E80  }
.Ltmp1:
0x49: {  	[sflag:s15] =	ssyncset.done $0x0;
	(pc) =	sbr.rel @p0 .LBB2_4-.Ltmp1, $4  }
0x4a: {  	s22 =	sadd.s32 $0x1400, s23;
	[sflag:s15] =	ssyncadd.s32 $0xFFFFC180  }
0x4b: {  	[spmem:s3] =	stream.indirect.scatter.add.f32 [tilespmem:s18], [sflag:$0x1], $0x80, s22, s17, $0xb8;
	[tilespmem:$0x1E800] =	vst v63  }
0x4c: {  	_ =	swait.ge [sflag:s15], $0x3E80  }
0x4d: {  	s22 =	smov.u32 s24;
	[sflag:s15] =	ssyncset.done $0x0  }
0x4e: {  	s21 =	sshra.s32 s21, $0x2;
	[sflag:s15] =	ssyncadd.s32 $0xFFFFC180  }
0x4f: {  	[tilespmem:s18], [sflag:$0x1] =	stream.indirect.gather [hbm4b:s2+s17], $0x80, s21, s17, $0xb8;
	[tilespmem:$0x1E800] =	vst v63  }
0x50: {  	_ =	swait.ge [sflag:s15], $0x3E80  }
0x51: {  	[sflag:s15] =	ssyncset.done $0x0  }
0x52: {  	s21 =	sadd.s32 $0x1400, s21;
	[sflag:s15] =	ssyncadd.s32 $0xFFFFC180  }
0x53: {  	[spmem:s3] =	stream.indirect.scatter.add.f32 [tilespmem:s18], [sflag:$0x1], $0x80, s21, s17, $0xb8;
	[tilespmem:$0x1E800] =	vst v63  }
0x54: {  	_ =	swait.ge [sflag:s15], $0x3E80  }
0x55: {  	s4 =	sadd.s32 $0x1, s4;
	[sflag:s15] =	ssyncset.done $0x0  }
0x56: {  	p0 =	sne.s32 s4, s13;
	[sflag:s15] =	ssyncadd.s32 $0xFFFFC180  }
.Ltmp2:
0x57: {  	[bflag:$0x0] =	sbarrier.arrive $0xFFFF;
	(pc) =	sbr.rel @p0 .LBB2_1-.Ltmp2, $4  }
0x58: {  	[hbm:s12], [sflag:s19] =	dma.local [spmem:s20], $0x2800  }
0x59: {  	_ =	swait.ge [sflag:s15], $0x2800  }
0x5a: {  	[sflag:s15] =	ssyncset.done $0x0  }
0x5b: {  	[sflag:s15] =	ssyncadd.s32 $0xFFFFD800  }
0x5c: {  	_ =	sfence.sel $0x180000  }
0x5d: {  	[bflag:$0x0] =	sbarrier.arrive $0xFFFF  }
0x5e: {  	p0 =	sne.s32 s0, $0x0;
	_ =	strace $0x9000004A  }
0x5f: {  	s0 =	sadd.s32 @!p0 $0x100000, s1;
	[bflag:$0x2] =	sbarrier.arrive $0xFFFF  }
0x60: {  	[sflag:s0] =	ssyncadd.tile.s32 @!p0 $0x1;
	_ =	shalt  }
.Lfunc_end2:
_tile_overlayer_lowered:
.L_overlay_start_2:
0x61: {  	(tag) =	ssettag $0x2  }
0x62: {  	s0 =	rddreg [dreg:$0x0];
	s2 =	stileid.u32  }
0x63: {  	s1 =	rddreg [dreg:$0x1];
	p0 =	sne.s32 s2, $0x0  }
0x64: {  	s3 =	rddreg [dreg:$0x2];
	[bflag:$0x3] =	sbarrier.arrive $0xFFFF;
	s2 =	simm.s32 @!p0 $0x1C01  }
0x65: {  	[timem:s3], [sflag:s2] =	dma.local @!p0 [hbm:s0], s1  }
0x66: {  	s0 =	simm.s32 @!p0 $0x1  }
0x67: {  	_ =	swait.ge @!p0 [sflag:s0], s1  }
0x68: {  	s1 =	ssub.s32 @!p0 $0x0, s1;
	[sflag:s0] =	ssyncset.done @!p0 $0x0  }
0x69: {  	[sflag:s0] =	ssyncadd.s32 @!p0 s1  }
0x6a: {  	[bflag:$0x3] =	sbarrier.arrive $0xFFFF  }
0x6b: {  	_ =	shalt  }

</sc_bundles>
